<compile_context>
chip_gen: v7x
topology: tpu7x:2x2x1
jax: 0.10.2.dev20260603
libtpu: 0.0.44.dev20260713+nightly
codegen_flags: <defaults>
</compile_context>

<pallas_src>
import functools

import jax
import jax.numpy as jnp
from jax import lax
from jax.experimental import pallas as pl
from jax.experimental.pallas import tpu as pltpu
from jax.experimental.pallas import tpu_sc as plsc

B = 16384
D_CONTEXT = 2048
D_TASK = 1024
D_ATTN = 1024
N_MODULES = 64
K_ACTIVE = 8

TILE = 1024

NC, NS, L = 2, 16, 16
NW = NC * NS

N_CHUNKS = 1
B_CHUNK = B // N_CHUNKS
ROWS_PER_W = B_CHUNK // NW

_DOT_KW = dict(preferred_element_type=jnp.float32)


def _gater_body(c_ref, e_ref, Wc_ref, We_ref, ba_ref, Wa_ref, phi_ref):
    pre = (jax.lax.dot_general(c_ref[...], Wc_ref[...],
                               (((1,), (1,)), ((), ())), **_DOT_KW)
           + jax.lax.dot_general(e_ref[...], We_ref[...],
                                 (((1,), (1,)), ((), ())), **_DOT_KW)
           + ba_ref[...])
    h = jnp.tanh(pre).astype(jnp.bfloat16)
    A = jax.lax.dot_general(h, Wa_ref[...], (((1,), (1,)), ((), ())),
                            **_DOT_KW)
    m = jnp.max(A, axis=1, keepdims=True)
    ex = jnp.exp(A - m)
    phi_ref[...] = ex / jnp.sum(ex, axis=1, keepdims=True)


_sc_mesh = plsc.VectorSubcoreMesh(core_axis_name="c", subcore_axis_name="s",
                                  num_cores=NC, num_subcores=NS)


def _router_tail_body(phi_hbm, phik_hbm, idx_hbm, phi_v, phik_v, idx_v):
    wid = lax.axis_index("s") * NC + lax.axis_index("c")
    base = wid * ROWS_PER_W * N_MODULES
    ibase = wid * ROWS_PER_W * K_ACTIVE
    pltpu.sync_copy(phi_hbm.at[pl.ds(base, ROWS_PER_W * N_MODULES)], phi_v)

    lanes = lax.iota(jnp.int32, L)
    low8 = lanes < K_ACTIVE
    zero16 = jnp.zeros((L,), jnp.float32)

    def row(r, carry):
        off = r * N_MODULES

        sk, sv = [], []
        for j in range(4):
            key = phi_v[pl.ds(off + 16 * j, 16)]
            kj, vj = plsc.sort_key_val(key, jnp.int32(16 * j) + lanes,
                                       descending=(j % 2 == 0))
            sk.append(kj)
            sv.append(vj)
        k01, v01 = plsc.sort_key_val(
            jnp.where(low8, sk[0], sk[1]),
            jnp.where(low8, sv[0], sv[1]), descending=True)
        k23, v23 = plsc.sort_key_val(
            jnp.where(low8, sk[2], sk[3]),
            jnp.where(low8, sv[2], sv[3]), descending=False)
        fk, fv = plsc.sort_key_val(
            jnp.where(low8, k01, k23),
            jnp.where(low8, v01, v23), descending=True)

        vals8 = jnp.where(low8, fk, 0.0)
        scaled = vals8 / (jnp.sum(vals8) + 1e-8)
        for j in range(4):
            phik_v[pl.ds(off + 16 * j, 16)] = zero16
        plsc.store_scatter(phik_v, [off + fv], scaled, mask=low8)
        plsc.store_scatter(idx_v, [r * K_ACTIVE + lanes], fv, mask=low8)
        return carry

    @plsc.parallel_loop(0, ROWS_PER_W, unroll=2)
    def _rows(r):
        row(r, 0)

    pltpu.sync_copy(phik_v, phik_hbm.at[pl.ds(base, ROWS_PER_W * N_MODULES)])
    pltpu.sync_copy(idx_v, idx_hbm.at[pl.ds(ibase, ROWS_PER_W * K_ACTIVE)])


_router_tail = functools.partial(
    pl.kernel,
    out_type=(jax.ShapeDtypeStruct((B_CHUNK * N_MODULES,), jnp.float32),
              jax.ShapeDtypeStruct((B_CHUNK * K_ACTIVE,), jnp.int32)),
    mesh=_sc_mesh,
    compiler_params=pltpu.CompilerParams(needs_layout_passes=False),
    scratch_types=[pltpu.VMEM((ROWS_PER_W * N_MODULES,), jnp.float32),
                   pltpu.VMEM((ROWS_PER_W * N_MODULES,), jnp.float32),
                   pltpu.VMEM((ROWS_PER_W * K_ACTIVE,), jnp.int32)],
)(_router_tail_body)


def _gater_chunk(c, e, Wc, We, ba2d, Wa):
    grid = (B_CHUNK // TILE,)
    return pl.pallas_call(
        _gater_body,
        grid=grid,
        in_specs=[
            pl.BlockSpec((TILE, D_CONTEXT), lambda i: (i, 0)),
            pl.BlockSpec((TILE, D_TASK), lambda i: (i, 0)),
            pl.BlockSpec((D_ATTN, D_CONTEXT), lambda i: (0, 0)),
            pl.BlockSpec((D_ATTN, D_TASK), lambda i: (0, 0)),
            pl.BlockSpec((1, D_ATTN), lambda i: (0, 0)),
            pl.BlockSpec((N_MODULES, D_ATTN), lambda i: (0, 0)),
        ],
        out_specs=pl.BlockSpec((TILE, N_MODULES), lambda i: (i, 0)),
        out_shape=jax.ShapeDtypeStruct((B_CHUNK, N_MODULES), jnp.float32),
        compiler_params=pltpu.CompilerParams(
            dimension_semantics=("parallel",)),
    )(c, e, Wc, We, ba2d, Wa)


@jax.jit
def kernel(c, e, Wc, We, ba, Wa):
    ba2d = ba.reshape(1, D_ATTN)
    c = c.astype(jnp.bfloat16)
    e = e.astype(jnp.bfloat16)
    Wc = Wc.astype(jnp.bfloat16)
    We = We.astype(jnp.bfloat16)
    Wa = Wa.astype(jnp.bfloat16)
    phis, phiks, idxs = [], [], []
    for i in range(N_CHUNKS):
        sl = slice(i * B_CHUNK, (i + 1) * B_CHUNK)
        phi = _gater_chunk(c[sl], e[sl], Wc, We, ba2d, Wa)
        phik_flat, idx_flat = _router_tail(phi.reshape(B_CHUNK * N_MODULES))
        phis.append(phi)
        phiks.append(phik_flat.reshape(B_CHUNK, N_MODULES))
        idxs.append(idx_flat.reshape(B_CHUNK, K_ACTIVE))
    return (jnp.concatenate(phis, axis=0), jnp.concatenate(phiks, axis=0),
            jnp.concatenate(idxs, axis=0))

# --- scband reference (transcript-rebuilt; emitter-appended) ---
"""Pipeline reference for scband-executive-gater-88356067213994 (READ-ONLY COPY).

The authoritative reference and input builder live on the scoring server;
editing this copy changes nothing except your own understanding.
"""

import jax, jax.numpy as jnp
import numpy as np

B = 16384
D_CONTEXT = 2048
D_TASK = 1024
D_ATTN = 1024
N_MODULES = 64
K_ACTIVE = 8

def _xavier_uniform(key, shape, gain):
    fan_out, fan_in = shape
    a = gain * np.sqrt(6.0 / (fan_in + fan_out))
    return jax.random.uniform(key, shape, minval=-a, maxval=a, dtype=jnp.float32)

def setup_inputs(seed: int = 0) -> dict:
    key = jax.random.key(seed)
    k0, k1, k2, k3, k4 = jax.random.split(key, 5)
    c = jax.random.normal(k0, (B, D_CONTEXT), dtype=jnp.float32)
    e = jax.random.normal(k1, (B, D_TASK), dtype=jnp.float32)
    Wc = _xavier_uniform(k2, (D_ATTN, D_CONTEXT), 0.1)
    We = _xavier_uniform(k3, (D_ATTN, D_TASK), 0.1)
    ba = jnp.zeros((D_ATTN,), dtype=jnp.float32)
    Wa = _xavier_uniform(k4, (N_MODULES, D_ATTN), 0.1)
    return {"c": c, "e": e, "Wc": Wc, "We": We, "ba": ba, "Wa": Wa}

def reference(c, e, Wc, We, ba, Wa):
    h = jnp.tanh(c @ Wc.T + e @ We.T + ba)
    A = h @ Wa.T
    phi = jax.nn.softmax(A, axis=1)
    topk_vals, topk_idx = jax.lax.top_k(phi, K_ACTIVE)
    rows = jnp.arange(phi.shape[0])[:, None]
    phi_k = jnp.zeros_like(phi).at[rows, topk_idx].set(topk_vals)
    phi_k = phi_k / (phi_k.sum(axis=1, keepdims=True) + 1e-08)
    return (phi, phi_k, topk_idx)

if __name__ == "__main__":
    import jax
    _d = setup_inputs()
    print(jax.jit(kernel)(*tuple(_d.values())))

</pallas_src>

<mosaic_0001>
#map = affine_map<(d0, d1) -> (0)>
module attributes {stable_mosaic.version = 14 : i64} {
  func.func @_router_tail_body(%arg0: i32, %arg1: i32, %arg2: memref<1048576xf32, #tpu.memory_space<hbm>>, %arg3: memref<1048576xf32, #tpu.memory_space<hbm>>, %arg4: memref<131072xi32, #tpu.memory_space<hbm>>, %arg5: memref<32768xf32, #tpu.memory_space<vmem>>, %arg6: memref<32768xf32, #tpu.memory_space<vmem>>, %arg7: memref<4096xi32, #tpu.memory_space<vmem>>) attributes {dimension_semantics = [#tpu.dimension_semantics<core_parallel>, #tpu.dimension_semantics<subcore_parallel>], iteration_bounds = array<i64: 2, 16>, scalar_prefetch = 0 : i64, scratch_operands = 3 : i64, tpu.core_type = #tpu.core_type<sc_vector_subcore>, window_params = [{transform_indices = #map}, {transform_indices = #map}, {transform_indices = #map}]} {
    %mul3A = arith.constant 2 : i32
    %mul3A_0 = arith.muli %arg1, %mul3A : i32
    %add3A = arith.addi %mul3A_0, %arg0 : i32
    %mul3A_1 = arith.constant 512 : i32
    %mul3A_2 = arith.muli %add3A, %mul3A_1 : i32
    %mul3A_3 = arith.constant 64 : i32
    %mul3A_4 = arith.muli %mul3A_2, %mul3A_3 : i32
    %mul3A_5 = arith.constant 512 : i32
    %mul3A_6 = arith.muli %add3A, %mul3A_5 : i32
    %mul3A_7 = arith.constant 8 : i32
    %mul3A_8 = arith.muli %mul3A_6, %mul3A_7 : i32
    "tpu.region"() ({
      %run_scoped3A = tpu.sem_alloc : memref<!tpu.dma_semaphore, #tpu.memory_space<semaphore_mem>>
      %dma_start3A = tpu.memref_slice %arg2[%mul3A_4] : memref<1048576xf32, #tpu.memory_space<hbm>> -> memref<32768xf32, #tpu.memory_space<hbm>>
      %dma_start3A_14 = tpu.memref_slice %arg2[%mul3A_4] : memref<1048576xf32, #tpu.memory_space<hbm>> -> memref<32768xf32, #tpu.memory_space<hbm>>
      tpu.enqueue_dma source(%dma_start3A_14 : memref<32768xf32, #tpu.memory_space<hbm>>) target(%arg5 : memref<32768xf32, #tpu.memory_space<vmem>>) target_semaphore(%run_scoped3A : memref<!tpu.dma_semaphore, #tpu.memory_space<semaphore_mem>>)
      %dma_wait3A = tpu.memref_slice %arg2[%mul3A_4] : memref<1048576xf32, #tpu.memory_space<hbm>> -> memref<32768xf32, #tpu.memory_space<hbm>>
      %dma_wait3A_15 = tpu.memref_slice %arg2[%mul3A_4] : memref<1048576xf32, #tpu.memory_space<hbm>> -> memref<32768xf32, #tpu.memory_space<hbm>>
      tpu.wait_dma2 semaphore(%run_scoped3A : memref<!tpu.dma_semaphore, #tpu.memory_space<semaphore_mem>>) src(%dma_wait3A_15 : memref<32768xf32, #tpu.memory_space<hbm>>) dst(%arg5 : memref<32768xf32, #tpu.memory_space<vmem>>)
      tpu.yield
    }) : () -> ()
    %iota3A = tpu.iota {dimensions = array<i32: 0>} : vector<16xi32>
    %lt3A = arith.constant 8 : i32
    %lt3A_9 = vector.broadcast %lt3A : i32 to vector<16xi32>
    %lt3A_10 = arith.cmpi slt, %iota3A, %lt3A_9 : vector<16xi32>
    %broadcast_in_dim3A = arith.constant 0.000000e+00 : f32
    %broadcast_in_dim3A_11 = vector.broadcast %broadcast_in_dim3A : f32 to vector<16xf32>
    %parallel_loop3A = arith.constant 0 : i32
    %parallel_loop3A_12 = arith.constant 512 : i32
    %parallel_loop3A_13 = arith.constant 1 : i32
    scf.for %parallel_loop3A_14 = %parallel_loop3A to %parallel_loop3A_12 step %parallel_loop3A_13  : i32 {
      %parallel_loop3A_15 = arith.constant 64 : i32
      %parallel_loop3A_16 = arith.muli %parallel_loop3A_14, %parallel_loop3A_15 : i32
      %parallel_loop3A_17 = arith.constant 0 : i32
      %parallel_loop3A_18 = arith.addi %parallel_loop3A_16, %parallel_loop3A_17 : i32
      %parallel_loop3A_19 = arith.index_cast %parallel_loop3A_18 : i32 to index
      %parallel_loop3A_20 = tpu.vector_load %arg5[%parallel_loop3A_19] {strides = array<i32>} : memref<32768xf32, #tpu.memory_space<vmem>>, vector<16xf32>,
      %parallel_loop3A_21 = arith.constant 0 : i32
      %parallel_loop3A_22 = vector.broadcast %parallel_loop3A_21 : i32 to vector<16xi32>
      %parallel_loop3A_23 = arith.addi %parallel_loop3A_22, %iota3A : vector<16xi32>
      %parallel_loop3A_24 = arith.constant dense<true> : vector<16xi1>
      %parallel_loop3A_25, %parallel_loop3A_26, %parallel_loop3A_27 = tpu.sort %parallel_loop3A_20, %parallel_loop3A_23 masked %parallel_loop3A_24 {descending = true} : (vector<16xf32>, vector<16xi32>, vector<16xi1>) -> (vector<16xi1>, vector<16xf32>, vector<16xi32>)
      %parallel_loop3A_28 = arith.constant 16 : i32
      %parallel_loop3A_29 = arith.addi %parallel_loop3A_16, %parallel_loop3A_28 : i32
      %parallel_loop3A_30 = arith.index_cast %parallel_loop3A_29 : i32 to index
      %parallel_loop3A_31 = tpu.vector_load %arg5[%parallel_loop3A_30] {strides = array<i32>} : memref<32768xf32, #tpu.memory_space<vmem>>, vector<16xf32>,
      %parallel_loop3A_32 = arith.constant 16 : i32
      %parallel_loop3A_33 = vector.broadcast %parallel_loop3A_32 : i32 to vector<16xi32>
      %parallel_loop3A_34 = arith.addi %parallel_loop3A_33, %iota3A : vector<16xi32>
      %parallel_loop3A_35 = arith.constant dense<true> : vector<16xi1>
      %parallel_loop3A_36, %parallel_loop3A_37, %parallel_loop3A_38 = tpu.sort %parallel_loop3A_31, %parallel_loop3A_34 masked %parallel_loop3A_35 : (vector<16xf32>, vector<16xi32>, vector<16xi1>) -> (vector<16xi1>, vector<16xf32>, vector<16xi32>)
      %parallel_loop3A_39 = arith.constant 32 : i32
      %parallel_loop3A_40 = arith.addi %parallel_loop3A_16, %parallel_loop3A_39 : i32
      %parallel_loop3A_41 = arith.index_cast %parallel_loop3A_40 : i32 to index
      %parallel_loop3A_42 = tpu.vector_load %arg5[%parallel_loop3A_41] {strides = array<i32>} : memref<32768xf32, #tpu.memory_space<vmem>>, vector<16xf32>,
      %parallel_loop3A_43 = arith.constant 32 : i32
      %parallel_loop3A_44 = vector.broadcast %parallel_loop3A_43 : i32 to vector<16xi32>
      %parallel_loop3A_45 = arith.addi %parallel_loop3A_44, %iota3A : vector<16xi32>
      %parallel_loop3A_46 = arith.constant dense<true> : vector<16xi1>
      %parallel_loop3A_47, %parallel_loop3A_48, %parallel_loop3A_49 = tpu.sort %parallel_loop3A_42, %parallel_loop3A_45 masked %parallel_loop3A_46 {descending = true} : (vector<16xf32>, vector<16xi32>, vector<16xi1>) -> (vector<16xi1>, vector<16xf32>, vector<16xi32>)
      %parallel_loop3A_50 = arith.constant 48 : i32
      %parallel_loop3A_51 = arith.addi %parallel_loop3A_16, %parallel_loop3A_50 : i32
      %parallel_loop3A_52 = arith.index_cast %parallel_loop3A_51 : i32 to index
      %parallel_loop3A_53 = tpu.vector_load %arg5[%parallel_loop3A_52] {strides = array<i32>} : memref<32768xf32, #tpu.memory_space<vmem>>, vector<16xf32>,
      %parallel_loop3A_54 = arith.constant 48 : i32
      %parallel_loop3A_55 = vector.broadcast %parallel_loop3A_54 : i32 to vector<16xi32>
      %parallel_loop3A_56 = arith.addi %parallel_loop3A_55, %iota3A : vector<16xi32>
      %parallel_loop3A_57 = arith.constant dense<true> : vector<16xi1>
      %parallel_loop3A_58, %parallel_loop3A_59, %parallel_loop3A_60 = tpu.sort %parallel_loop3A_53, %parallel_loop3A_56 masked %parallel_loop3A_57 : (vector<16xf32>, vector<16xi32>, vector<16xi1>) -> (vector<16xi1>, vector<16xf32>, vector<16xi32>)
      %parallel_loop3A_61 = arith.select %lt3A_10, %parallel_loop3A_26, %parallel_loop3A_37 : vector<16xi1>, vector<16xf32>
      %parallel_loop3A_62 = arith.select %lt3A_10, %parallel_loop3A_27, %parallel_loop3A_38 : vector<16xi1>, vector<16xi32>
      %parallel_loop3A_63 = arith.constant dense<true> : vector<16xi1>
      %parallel_loop3A_64, %parallel_loop3A_65, %parallel_loop3A_66 = tpu.sort %parallel_loop3A_61, %parallel_loop3A_62 masked %parallel_loop3A_63 {descending = true} : (vector<16xf32>, vector<16xi32>, vector<16xi1>) -> (vector<16xi1>, vector<16xf32>, vector<16xi32>)
      %parallel_loop3A_67 = arith.select %lt3A_10, %parallel_loop3A_48, %parallel_loop3A_59 : vector<16xi1>, vector<16xf32>
      %parallel_loop3A_68 = arith.select %lt3A_10, %parallel_loop3A_49, %parallel_loop3A_60 : vector<16xi1>, vector<16xi32>
      %parallel_loop3A_69 = arith.constant dense<true> : vector<16xi1>
      %parallel_loop3A_70, %parallel_loop3A_71, %parallel_loop3A_72 = tpu.sort %parallel_loop3A_67, %parallel_loop3A_68 masked %parallel_loop3A_69 : (vector<16xf32>, vector<16xi32>, vector<16xi1>) -> (vector<16xi1>, vector<16xf32>, vector<16xi32>)
      %parallel_loop3A_73 = arith.select %lt3A_10, %parallel_loop3A_65, %parallel_loop3A_71 : vector<16xi1>, vector<16xf32>
      %parallel_loop3A_74 = arith.select %lt3A_10, %parallel_loop3A_66, %parallel_loop3A_72 : vector<16xi1>, vector<16xi32>
      %parallel_loop3A_75 = arith.constant dense<true> : vector<16xi1>
      %parallel_loop3A_76, %parallel_loop3A_77, %parallel_loop3A_78 = tpu.sort %parallel_loop3A_73, %parallel_loop3A_74 masked %parallel_loop3A_75 {descending = true} : (vector<16xf32>, vector<16xi32>, vector<16xi1>) -> (vector<16xi1>, vector<16xf32>, vector<16xi32>)
      %parallel_loop3A_79 = arith.constant 0.000000e+00 : f32
      %parallel_loop3A_80 = vector.broadcast %parallel_loop3A_79 : f32 to vector<16xf32>
      %parallel_loop3A_81 = arith.select %lt3A_10, %parallel_loop3A_77, %parallel_loop3A_80 : vector<16xi1>, vector<16xf32>
      %parallel_loop3A_82 = arith.constant true
      %parallel_loop3A_83 = vector.broadcast %parallel_loop3A_82 : i1 to vector<16xi1>
      %parallel_loop3A_84 = tpu.scan <sum>, %parallel_loop3A_81 masked %parallel_loop3A_83 : vector<16xf32>, vector<16xi1> -> vector<16xf32>
      %parallel_loop3A_85 = vector.extract %parallel_loop3A_84[15] : f32 from vector<16xf32>
      %parallel_loop3A_86 = arith.constant 9.99999993E-9 : f32
      %parallel_loop3A_87 = arith.addf %parallel_loop3A_85, %parallel_loop3A_86 : f32
      %parallel_loop3A_88 = vector.broadcast %parallel_loop3A_87 : f32 to vector<16xf32>
      %parallel_loop3A_89 = arith.divf %parallel_loop3A_81, %parallel_loop3A_88 : vector<16xf32>
      %parallel_loop3A_90 = arith.constant 0 : i32
      %parallel_loop3A_91 = arith.addi %parallel_loop3A_16, %parallel_loop3A_90 : i32
      %parallel_loop3A_92 = arith.index_cast %parallel_loop3A_91 : i32 to index
      %parallel_loop3A_93 = tpu.vector_load %arg6[%parallel_loop3A_92] {strides = array<i32>} : memref<32768xf32, #tpu.memory_space<vmem>>, vector<16xf32>,
      tpu.vector_store %arg6[%parallel_loop3A_92], %broadcast_in_dim3A_11 {strides = array<i32>} : memref<32768xf32, #tpu.memory_space<vmem>>, vector<16xf32>,
      %parallel_loop3A_94 = arith.constant 16 : i32
      %parallel_loop3A_95 = arith.addi %parallel_loop3A_16, %parallel_loop3A_94 : i32
      %parallel_loop3A_96 = arith.index_cast %parallel_loop3A_95 : i32 to index
      %parallel_loop3A_97 = tpu.vector_load %arg6[%parallel_loop3A_96] {strides = array<i32>} : memref<32768xf32, #tpu.memory_space<vmem>>, vector<16xf32>,
      tpu.vector_store %arg6[%parallel_loop3A_96], %broadcast_in_dim3A_11 {strides = array<i32>} : memref<32768xf32, #tpu.memory_space<vmem>>, vector<16xf32>,
      %parallel_loop3A_98 = arith.constant 32 : i32
      %parallel_loop3A_99 = arith.addi %parallel_loop3A_16, %parallel_loop3A_98 : i32
      %parallel_loop3A_100 = arith.index_cast %parallel_loop3A_99 : i32 to index
      %parallel_loop3A_101 = tpu.vector_load %arg6[%parallel_loop3A_100] {strides = array<i32>} : memref<32768xf32, #tpu.memory_space<vmem>>, vector<16xf32>,
      tpu.vector_store %arg6[%parallel_loop3A_100], %broadcast_in_dim3A_11 {strides = array<i32>} : memref<32768xf32, #tpu.memory_space<vmem>>, vector<16xf32>,
      %parallel_loop3A_102 = arith.constant 48 : i32
      %parallel_loop3A_103 = arith.addi %parallel_loop3A_16, %parallel_loop3A_102 : i32
      %parallel_loop3A_104 = arith.index_cast %parallel_loop3A_103 : i32 to index
      %parallel_loop3A_105 = tpu.vector_load %arg6[%parallel_loop3A_104] {strides = array<i32>} : memref<32768xf32, #tpu.memory_space<vmem>>, vector<16xf32>,
      tpu.vector_store %arg6[%parallel_loop3A_104], %broadcast_in_dim3A_11 {strides = array<i32>} : memref<32768xf32, #tpu.memory_space<vmem>>, vector<16xf32>,
      %parallel_loop3A_106 = vector.broadcast %parallel_loop3A_16 : i32 to vector<16xi32>
      %parallel_loop3A_107 = arith.addi %parallel_loop3A_106, %parallel_loop3A_78 : vector<16xi32>
      tpu.vector_store_idx %arg6[%parallel_loop3A_107], %parallel_loop3A_89 masked %lt3A_10 : memref<32768xf32, #tpu.memory_space<vmem>>[vector<16xi32>], vector<16xf32>, vector<16xi1>
      %parallel_loop3A_108 = arith.constant 8 : i32
      %parallel_loop3A_109 = arith.muli %parallel_loop3A_14, %parallel_loop3A_108 : i32
      %parallel_loop3A_110 = vector.broadcast %parallel_loop3A_109 : i32 to vector<16xi32>
      %parallel_loop3A_111 = arith.addi %parallel_loop3A_110, %iota3A : vector<16xi32>
      tpu.vector_store_idx %arg7[%parallel_loop3A_111], %parallel_loop3A_78 masked %lt3A_10 : memref<4096xi32, #tpu.memory_space<vmem>>[vector<16xi32>], vector<16xi32>, vector<16xi1>
    } {sc.loop_unroll_factor = 2 : i64, sc.parallel_access}
    "tpu.region"() ({
      %run_scoped3A = tpu.sem_alloc : memref<!tpu.dma_semaphore, #tpu.memory_space<semaphore_mem>>
      %dma_start3A = tpu.memref_slice %arg3[%mul3A_4] : memref<1048576xf32, #tpu.memory_space<hbm>> -> memref<32768xf32, #tpu.memory_space<hbm>>
      %dma_start3A_14 = tpu.memref_slice %arg3[%mul3A_4] : memref<1048576xf32, #tpu.memory_space<hbm>> -> memref<32768xf32, #tpu.memory_space<hbm>>
      tpu.enqueue_dma source(%arg6 : memref<32768xf32, #tpu.memory_space<vmem>>) target(%dma_start3A_14 : memref<32768xf32, #tpu.memory_space<hbm>>) target_semaphore(%run_scoped3A : memref<!tpu.dma_semaphore, #tpu.memory_space<semaphore_mem>>)
      %dma_wait3A = tpu.memref_slice %arg3[%mul3A_4] : memref<1048576xf32, #tpu.memory_space<hbm>> -> memref<32768xf32, #tpu.memory_space<hbm>>
      %dma_wait3A_15 = tpu.memref_slice %arg3[%mul3A_4] : memref<1048576xf32, #tpu.memory_space<hbm>> -> memref<32768xf32, #tpu.memory_space<hbm>>
      tpu.wait_dma2 semaphore(%run_scoped3A : memref<!tpu.dma_semaphore, #tpu.memory_space<semaphore_mem>>) src(%arg6 : memref<32768xf32, #tpu.memory_space<vmem>>) dst(%dma_wait3A_15 : memref<32768xf32, #tpu.memory_space<hbm>>)
      tpu.yield
    }) : () -> ()
    "tpu.region"() ({
      %run_scoped3A = tpu.sem_alloc : memref<!tpu.dma_semaphore, #tpu.memory_space<semaphore_mem>>
      %dma_start3A = tpu.memref_slice %arg4[%mul3A_8] : memref<131072xi32, #tpu.memory_space<hbm>> -> memref<4096xi32, #tpu.memory_space<hbm>>
      %dma_start3A_14 = tpu.memref_slice %arg4[%mul3A_8] : memref<131072xi32, #tpu.memory_space<hbm>> -> memref<4096xi32, #tpu.memory_space<hbm>>
      tpu.enqueue_dma source(%arg7 : memref<4096xi32, #tpu.memory_space<vmem>>) target(%dma_start3A_14 : memref<4096xi32, #tpu.memory_space<hbm>>) target_semaphore(%run_scoped3A : memref<!tpu.dma_semaphore, #tpu.memory_space<semaphore_mem>>)
      %dma_wait3A = tpu.memref_slice %arg4[%mul3A_8] : memref<131072xi32, #tpu.memory_space<hbm>> -> memref<4096xi32, #tpu.memory_space<hbm>>
      %dma_wait3A_15 = tpu.memref_slice %arg4[%mul3A_8] : memref<131072xi32, #tpu.memory_space<hbm>> -> memref<4096xi32, #tpu.memory_space<hbm>>
      tpu.wait_dma2 semaphore(%run_scoped3A : memref<!tpu.dma_semaphore, #tpu.memory_space<semaphore_mem>>) src(%arg7 : memref<4096xi32, #tpu.memory_space<vmem>>) dst(%dma_wait3A_15 : memref<4096xi32, #tpu.memory_space<hbm>>)
      tpu.yield
    }) : () -> ()
    return
  }
}

module attributes {stable_mosaic.version = 14 : i64} {
  func.func @_gater_body(%arg0: i32, %arg1: memref<1024x2048xbf16, #tpu.memory_space<vmem>>, %arg2: memref<1024x1024xbf16, #tpu.memory_space<vmem>>, %arg3: memref<1024x2048xbf16, #tpu.memory_space<vmem>>, %arg4: memref<1024x1024xbf16, #tpu.memory_space<vmem>>, %arg5: memref<1x1024xf32, #tpu.memory_space<vmem>>, %arg6: memref<64x1024xbf16, #tpu.memory_space<vmem>>, %arg7: memref<1024x64xf32, #tpu.memory_space<vmem>>) attributes {dimension_semantics = [#tpu.dimension_semantics<parallel>], iteration_bounds = array<i64: 16>, scalar_prefetch = 0 : i64, scratch_operands = 0 : i64, tpu.core_type = #tpu.core_type<tc>, window_params = [{transform_indices = @transform_0, window_bounds = array<i64: 1024, 2048>}, {transform_indices = @transform_1, window_bounds = array<i64: 1024, 1024>}, {pipeline_mode = #tpu.pipeline_mode<synchronous>, transform_indices = @transform_2, window_bounds = array<i64: 1024, 2048>}, {pipeline_mode = #tpu.pipeline_mode<synchronous>, transform_indices = @transform_3, window_bounds = array<i64: 1024, 1024>}, {pipeline_mode = #tpu.pipeline_mode<synchronous>, transform_indices = @transform_4, window_bounds = array<i64: 1, 1024>}, {pipeline_mode = #tpu.pipeline_mode<synchronous>, transform_indices = @transform_5, window_bounds = array<i64: 64, 1024>}, {transform_indices = @transform_6, window_bounds = array<i64: 1024, 64>}]} {
    %get3A = arith.constant 0 : index
    %get3A_0 = arith.constant 0 : index
    %get3A_1 = vector.load %arg1[%get3A, %get3A_0] : memref<1024x2048xbf16, #tpu.memory_space<vmem>>, vector<1024x2048xbf16>
    %get3A_2 = arith.constant 0 : index
    %get3A_3 = arith.constant 0 : index
    %get3A_4 = vector.load %arg3[%get3A_2, %get3A_3] : memref<1024x2048xbf16, #tpu.memory_space<vmem>>, vector<1024x2048xbf16>
    %dot_general3A = arith.constant dense<0.000000e+00> : vector<1024x1024xf32>
    %dot_general3A_5 = tpu.matmul %get3A_1, %get3A_4, %dot_general3A {dimension_numbers = #tpu.dot_dimension_numbers<[1], [1], [0], [0], [0, 0, 1, 0], [], []>, transpose_lhs_hint = false} : vector<1024x2048xbf16>, vector<1024x2048xbf16>, vector<1024x1024xf32> -> vector<1024x1024xf32>
    %get3A_6 = arith.constant 0 : index
    %get3A_7 = arith.constant 0 : index
    %get3A_8 = vector.load %arg2[%get3A_6, %get3A_7] : memref<1024x1024xbf16, #tpu.memory_space<vmem>>, vector<1024x1024xbf16>
    %get3A_9 = arith.constant 0 : index
    %get3A_10 = arith.constant 0 : index
    %get3A_11 = vector.load %arg4[%get3A_9, %get3A_10] : memref<1024x1024xbf16, #tpu.memory_space<vmem>>, vector<1024x1024xbf16>
    %dot_general3A_12 = arith.constant dense<0.000000e+00> : vector<1024x1024xf32>
    %dot_general3A_13 = tpu.matmul %get3A_8, %get3A_11, %dot_general3A_12 {dimension_numbers = #tpu.dot_dimension_numbers<[1], [1], [0], [0], [0, 0, 1, 0], [], []>, transpose_lhs_hint = false} : vector<1024x1024xbf16>, vector<1024x1024xbf16>, vector<1024x1024xf32> -> vector<1024x1024xf32>
    %add3A = arith.addf %dot_general3A_5, %dot_general3A_13 : vector<1024x1024xf32>
    %get3A_14 = arith.constant 0 : index
    %get3A_15 = arith.constant 0 : index
    %get3A_16 = vector.load %arg5[%get3A_14, %get3A_15] : memref<1x1024xf32, #tpu.memory_space<vmem>>, vector<1x1024xf32>
    %add3A_17 = vector.broadcast %get3A_16 : vector<1x1024xf32> to vector<1024x1024xf32>
    %add3A_18 = arith.addf %add3A, %add3A_17 : vector<1024x1024xf32>
    %tanh3A = math.tanh %add3A_18 : vector<1024x1024xf32>
    %convert_element_type3A = arith.truncf %tanh3A : vector<1024x1024xf32> to vector<1024x1024xbf16>
    %get3A_19 = arith.constant 0 : index
    %get3A_20 = arith.constant 0 : index
    %get3A_21 = vector.load %arg6[%get3A_19, %get3A_20] : memref<64x1024xbf16, #tpu.memory_space<vmem>>, vector<64x1024xbf16>
    %dot_general3A_22 = arith.constant dense<0.000000e+00> : vector<1024x64xf32>
    %dot_general3A_23 = tpu.matmul %convert_element_type3A, %get3A_21, %dot_general3A_22 {dimension_numbers = #tpu.dot_dimension_numbers<[1], [1], [0], [0], [0, 0, 1, 0], [], []>, transpose_lhs_hint = false} : vector<1024x1024xbf16>, vector<64x1024xbf16>, vector<1024x64xf32> -> vector<1024x64xf32>
    %reduce_max3A = arith.constant dense<0xFF800000> : vector<1024xf32>
    %reduce_max3A_24 = vector.multi_reduction <maximumf>, %dot_general3A_23, %reduce_max3A [1] : vector<1024x64xf32> to vector<1024xf32>
    %broadcast_in_dim3A = vector.shape_cast %reduce_max3A_24 : vector<1024xf32> to vector<1024x1xf32>
    %sub3A = vector.broadcast %broadcast_in_dim3A : vector<1024x1xf32> to vector<1024x64xf32>
    %sub3A_25 = arith.subf %dot_general3A_23, %sub3A : vector<1024x64xf32>
    %exp3A = math.exp %sub3A_25 : vector<1024x64xf32>
    %reduce_sum3A = arith.constant dense<0.000000e+00> : vector<1024xf32>
    %reduce_sum3A_26 = vector.multi_reduction <add>, %exp3A, %reduce_sum3A [1] : vector<1024x64xf32> to vector<1024xf32>
    %broadcast_in_dim3A_27 = vector.shape_cast %reduce_sum3A_26 : vector<1024xf32> to vector<1024x1xf32>
    %div3A = vector.broadcast %broadcast_in_dim3A_27 : vector<1024x1xf32> to vector<1024x64xf32>
    %div3A_28 = arith.divf %exp3A, %div3A : vector<1024x64xf32>
    %swap3A = arith.constant 0 : index
    %swap3A_29 = arith.constant 0 : index
    %swap3A_30 = vector.load %arg7[%swap3A, %swap3A_29] : memref<1024x64xf32, #tpu.memory_space<vmem>>, vector<1024x64xf32>
    tpu.vector_store %arg7[%swap3A, %swap3A_29], %div3A_28 {strides = array<i32>} : memref<1024x64xf32, #tpu.memory_space<vmem>>, vector<1024x64xf32>,
    return
  }
  func.func @transform_0(%arg0: i32) -> (i32, i32) {
    %c0_i32 = arith.constant 0 : i32
    %c0_i32_0 = arith.constant 0 : i32
    return %arg0, %c0_i32 : i32, i32
  }
  func.func @transform_1(%arg0: i32) -> (i32, i32) {
    %c0_i32 = arith.constant 0 : i32
    %c0_i32_0 = arith.constant 0 : i32
    return %arg0, %c0_i32 : i32, i32
  }
  func.func @transform_2(%arg0: i32) -> (i32, i32) {
    %c0_i32 = arith.constant 0 : i32
    %c0_i32_0 = arith.constant 0 : i32
    %c0_i32_1 = arith.constant 0 : i32
    return %c0_i32, %c0_i32_0 : i32, i32
  }
  func.func @transform_3(%arg0: i32) -> (i32, i32) {
    %c0_i32 = arith.constant 0 : i32
    %c0_i32_0 = arith.constant 0 : i32
    %c0_i32_1 = arith.constant 0 : i32
    return %c0_i32, %c0_i32_0 : i32, i32
  }
  func.func @transform_4(%arg0: i32) -> (i32, i32) {
    %c0_i32 = arith.constant 0 : i32
    %c0_i32_0 = arith.constant 0 : i32
    %c0_i32_1 = arith.constant 0 : i32
    return %c0_i32, %c0_i32_0 : i32, i32
  }
  func.func @transform_5(%arg0: i32) -> (i32, i32) {
    %c0_i32 = arith.constant 0 : i32
    %c0_i32_0 = arith.constant 0 : i32
    %c0_i32_1 = arith.constant 0 : i32
    return %c0_i32, %c0_i32_0 : i32, i32
  }
  func.func @transform_6(%arg0: i32) -> (i32, i32) {
    %c0_i32 = arith.constant 0 : i32
    %c0_i32_0 = arith.constant 0 : i32
    return %arg0, %c0_i32 : i32, i32
  }
}

</mosaic_0001>

<sc_bundles>
// kernel: kernel.4.cloned.1.call-start
scs
__scs_entry_jumppad:
0x0: {  	(pc) =	sbr.rel $0x88, $3  }
0x1: {  	(tag) =	ssettag $0x0;
	lr =	simm.s32 $0x1  }
0x2: {  	[smem:$0x3F9B] =	sst lr;
	_ =	strace $0xD0000000  }
0x3: {  	_ = 	snop  }
0x4: {  	_ = 	snop  }
0x5: {  	_ = 	snop  }
0x6: {  	_ = 	snop  }
0x7: {  	_ = 	snop  }
__scs_overlays_trampoline_lowered:
0x8: {  	[smem:$0x3FAA] =	sst s0  }
0x9: {  	[smem:$0x3FAB] =	sst s1  }
0xa: {  	[smem:$0x3FAC] =	sst s2  }
0xb: {  	[smem:$0x3FAD] =	sst s3  }
0xc: {  	[smem:$0x3FAE] =	sst s4  }
0xd: {  	[smem:$0x3FAF] =	sst s5  }
0xe: {  	[smem:$0x3FB0] =	sst s6  }
0xf: {  	[smem:$0x3FB1] =	sst s7  }
0x10: {  	[smem:$0x3FB2] =	sst s8  }
0x11: {  	[smem:$0x3FB3] =	sst s9;
	s0 =	simm.s32 @!p0 $0x0  }
0x12: {  	s1 =	sld [smem:$0x3F99];
	s0 =	simm.s32 @p0 $0x1  }
0x13: {  	[smem:$0x3FB4] =	sst s0;
	s0 =	simm.s32 @!p1 $0x0  }
0x14: {  	s2 =	sld [smem:$0x3F98];
	s0 =	simm.s32 @p1 $0x1  }
0x15: {  	[smem:$0x3FB5] =	sst s0;
	s0 =	simm.s32 @!p2 $0x0  }
0x16: {  	s3 =	sld [smem:$0x3FDB];
	s0 =	simm.s32 @p2 $0x1  }
0x17: {  	s4 =	simm.s32 $0x1BF5;
	[smem:$0x3FB7] =	sst s0  }
0x18: {  	s0 =	sld [smem:$0x3F9A];
	_ =	swait.ge [sflag:s4], $0x0  }
0x19: {  	s7 =	sld [smem:$0x3F9B]  }
0x1a: {  	s8 =	sadd.s32 $0xFFFFE003, lr  }
0x1b: {  	s9 =	sadd.s32 $0xFFFFFEF7, lr;
	s5 =	simm.s32 $0xFFFFFFFF;
	p2 =	slt.u32 s8, $0xFFFFF086  }
0x1c: {  	p1 =	slt.u32 s9, $0xF7A;
	s5 =	simm.s32 @!p2 $0x0  }
0x1d: {  	s5 =	simm.s32 @p1 $0x1;
	p0 =	seq.s32 s7, s2  }
0x1e: {  	s7 =	smul.u32 @!p0 $0xF7A, s2;
	p2 =	seq.s32 @!p0 s5, $0x0  }
0x1f: {  	s9 =	smul.u32 $0xF7A, s1;
	s8 =	simm.s32 @!p0 $0x1BF5;
	p2 =	por !p2, p0  }
0x20: {  	[sflag:s8] =	ssyncset.s32 @!p0 $0xFFFFF086;
	s6 =	sadd.s32 @!p0 s3, s7;
	s7 =	simm.s32 @!p0 $0x108  }
0x21: {  	s3 =	sadd.s32 s3, s9;
	s6 =	sadd.s32 @!p0 $0x88, s6;
	s7 =	simm.s32 @p2 $0x1082  }
0x22: {  	[simem:s7], [sflag:s8] =	dma.local @!p0 [hbm:s6], $0xF7A  }
0x23: {  	s9 =	sor.u32 $0xD0000000, s2;
	s6 =	simm.s32 $0x108;
	_ =	swait.ge @!p0 [sflag:s8], $0x0  }
0x24: {  	s3 =	sadd.s32 $0x88, s3;
	s6 =	simm.s32 @!p1 $0x1082;
	[sflag:s4] =	ssyncset.s32 $0xFFFFF086  }
0x25: {  	[simem:s6], [sflag:s4] =	dma.local [hbm:s3], $0xF7A  }
0x26: {  	[smem:$0x3F9B] =	sst s1;
	(tag) =	ssettag s2;
	_ =	strace s9  }
0x27: {  	s1 =	sld [smem:$0x3FAB]  }
0x28: {  	s2 =	sld [smem:$0x3FAC]  }
0x29: {  	s4 =	sld [smem:$0x3FAE]  }
0x2a: {  	p0 =	seq.s32 s5, $0x0;
	s5 =	sld [smem:$0x3FAF]  }
0x2b: {  	s6 =	sld [smem:$0x3FB0]  }
0x2c: {  	s7 =	sld [smem:$0x3FB1]  }
0x2d: {  	s3 =	simm.s32 $0x108;
	s8 =	sld [smem:$0x3FB2]  }
0x2e: {  	s3 =	simm.s32 @!p0 $0x1082;
	s9 =	sld [smem:$0x3FB3]  }
0x2f: {  	lr =	sadd.s32 s0, s3;
	s0 =	sld [smem:$0x3FAA]  }
0x30: {  	s3 =	sld [smem:$0x3FAD]  }
0x31: {  	[smem:$0x3FB6] =	sst s10  }
0x32: {  	s10 =	sld [smem:$0x3FB4];
	_ =	sdelay $0x3  }
0x33: {  	p0 =	seq.s32 s10, $0x1;
	s10 =	sld [smem:$0x3FB6];
	_ =	sdelay $0x3  }
0x34: {  	[smem:$0x3FB6] =	sst s10  }
0x35: {  	s10 =	sld [smem:$0x3FB5];
	_ =	sdelay $0x3  }
0x36: {  	p1 =	seq.s32 s10, $0x1;
	s10 =	sld [smem:$0x3FB6];
	_ =	sdelay $0x3  }
0x37: {  	[smem:$0x3FB6] =	sst s10  }
0x38: {  	s10 =	sld [smem:$0x3FB7]  }
0x39: {  	_ = 	snop;
	(pc) =	sbr.ind lr, $3  }
0x3a: {  	_ = 	snop  }
0x3b: {  	_ = 	snop  }
0x3c: {  	p2 =	seq.s32 s10, $0x1;
	s10 =	sld [smem:$0x3FB6]  }
0x3d: {  	_ =	shalt  }
0x3e: {  	_ =	shalt  }
0x3f: {  	_ =	shalt  }
0x40: {  	_ =	shalt  }
0x41: {  	_ =	shalt  }
0x42: {  	_ =	shalt  }
0x43: {  	_ =	shalt  }
0x44: {  	_ =	shalt  }
0x45: {  	_ =	shalt  }
0x46: {  	_ =	shalt  }
0x47: {  	_ =	shalt  }
0x48: {  	_ =	shalt  }
0x49: {  	_ =	shalt  }
0x4a: {  	_ =	shalt  }
0x4b: {  	_ =	shalt  }
0x4c: {  	_ =	shalt  }
0x4d: {  	_ =	shalt  }
0x4e: {  	_ =	shalt  }
0x4f: {  	_ =	shalt  }
0x50: {  	_ =	shalt  }
0x51: {  	_ =	shalt  }
0x52: {  	_ =	shalt  }
0x53: {  	_ =	shalt  }
0x54: {  	_ =	shalt  }
0x55: {  	_ =	shalt  }
0x56: {  	_ =	shalt  }
0x57: {  	_ =	shalt  }
0x58: {  	_ =	shalt  }
0x59: {  	_ =	shalt  }
0x5a: {  	_ =	shalt  }
0x5b: {  	_ =	shalt  }
0x5c: {  	_ =	shalt  }
0x5d: {  	_ =	shalt  }
0x5e: {  	_ =	shalt  }
0x5f: {  	_ =	shalt  }
0x60: {  	_ =	shalt  }
0x61: {  	_ =	shalt  }
0x62: {  	_ =	shalt  }
0x63: {  	_ =	shalt  }
0x64: {  	_ =	shalt  }
0x65: {  	_ =	shalt  }
0x66: {  	_ =	shalt  }
0x67: {  	_ =	shalt  }
0x68: {  	_ =	shalt  }
0x69: {  	_ =	shalt  }
0x6a: {  	_ =	shalt  }
0x6b: {  	_ =	shalt  }
0x6c: {  	_ =	shalt  }
0x6d: {  	_ =	shalt  }
0x6e: {  	_ =	shalt  }
0x6f: {  	_ =	shalt  }
0x70: {  	_ =	shalt  }
0x71: {  	_ =	shalt  }
0x72: {  	_ =	shalt  }
0x73: {  	_ =	shalt  }
0x74: {  	_ =	shalt  }
0x75: {  	_ =	shalt  }
0x76: {  	_ =	shalt  }
0x77: {  	_ =	shalt  }
0x78: {  	_ =	shalt  }
0x79: {  	_ =	shalt  }
0x7a: {  	_ =	shalt  }
0x7b: {  	_ =	shalt  }
0x7c: {  	_ =	shalt  }
0x7d: {  	_ =	shalt  }
0x7e: {  	_ =	shalt  }
0x7f: {  	_ =	shalt  }
0x80: {  	_ =	shalt  }
0x81: {  	_ =	shalt  }
0x82: {  	_ =	shalt  }
0x83: {  	_ =	shalt  }
0x84: {  	_ =	shalt  }
0x85: {  	_ =	shalt  }
0x86: {  	_ =	shalt  }
0x87: {  	_ =	shalt  }
.Lfunc_end0:
.L_simem_size_0:
called_computation_lowered:
.L_overlay_start_0:
0x88: {  	s2 =	sld [smem:$0x3FD9]  }
0x89: {  	s3 =	sld [smem:$0x3FFE];
	_ =	sdelay $0x1  }
0x8a: {  	s1 =	srdreg.scid  }
0x8b: {  	s0 =	sand.u32 $0x1, s1  }
0x8c: {  	s14 =	sshll.u32 s0, $0xA;
	s2 =	sadd.s32 s3, s2  }
0x8d: {  	s2 =	sadd.s32 s2, s14  }
0x8e: {  	[smem:$0x3FC2] =	sst s2  }
0x8f: {  	_ = 	snop  }
0x90: {  	s2 =	sld [smem:$0x3FD0];
	_ =	sdelay $0x2  }
0x91: {  	s15 =	simm.s32 $0xA;
	s4 =	simm.s32 $0x10  }
0x92: {  	[smem:s4], [sflag:s15] =	dma.local [hbm:s2], $0x1  }
0x93: {  	_ =	swait.eq [sflag:s15], $0x1  }
0x94: {  	[sflag:s15] =	ssyncset.done $0x0  }
0x95: {  	s16 =	sld [smem:$0x11];
	[sflag:s15] =	ssyncadd.s32 $0xFFFFFFFF  }
0x96: {  	s17 =	sld [smem:$0x12];
	(tm) =	ssettm $0x1  }
0x97: {  	s18 =	sld [smem:$0x3FFB];
	_ =	sdelay $0x3  }
0x98: {  	_ =	strace s18  }
0x99: {  	s4 =	sld [smem:$0x3FFC];
	_ =	sdelay $0x3  }
0x9a: {  	_ =	strace s4  }
0x9b: {  	s4 =	sld [smem:$0x3FFD];
	_ =	sdelay $0x3  }
0x9c: {  	_ =	strace s4  }
0x9d: {  	_ =	strace $0x8FFFFFFF  }
0x9e: {  	s19 =	sld [smem:$0x3FDB];
	_ =	sdelay $0x1  }
0x9f: {  	s5 =	simm.s32 $_scs_section_size  }
0xa0: {  	s6 =	simm.s32 $_size__tile_overlayer_lowered;
	s7 =	simm.s32 $_tile_overlayer_lowered  }
0xa1: {  	s22 =	simm.s32 $0x1BFF;
	s21 =	sshll.u32 s7, $0x1;
	s4 =	sadd.s32 s5, s19  }
0xa2: {  	s8 =	simm.s32 $0x0;
	s20 =	sshll.u32 s6, $0x1;
	s6 =	sadd.s32 s21, s4  }
0xa3: {  	[timem:s8], [sflag:s22] =	dma.local [hbm:s6], s20  }
0xa4: {  	_ =	swait.ge [sflag:s22], s20  }
0xa5: {  	s5 =	ssub.s32 $0x0, s20;
	[sflag:s22] =	ssyncset.done $0x0  }
0xa6: {  	[sflag:s22] =	ssyncadd.s32 s5;
	_ =	sdelay $0x1  }
0xa7: {  	s23 =	simm.s32 $0x1B8B  }
0xa8: {  	_ =	swait.ge [sflag:s23], $0x1  }
0xa9: {  	[sflag:s23] =	ssyncset.done $0x0  }
0xaa: {  	s25 =	simm.s32 $0x1B8E;
	s24 =	sld [smem:$0x3FFE];
	[sflag:s23] =	ssyncadd.s32 $0xFFFFFFFF  }
0xab: {  	s26 =	simm.s32 $execute0_lowered;
	[smem:$0x3FD2] =	sst s25  }
0xac: {  	s6 =	sshll.u32 s26, $0x1;
	_ =	strace $0x80000046;
	[dreg:$0x1] =	wrdreg $0xFFFFFFFF  }
0xad: {  	s28 =	simm.s32 $_size_execute0_lowered;
	s4 =	sadd.s32 s4, s6;
	[dreg:$0x0] =	wrdreg $0x0  }
0xae: {  	s6 =	sshll.u32 s28, $0x1;
	[dreg:$0x2] =	wrdreg s4  }
0xaf: {  	[dreg:$0x3] =	wrdreg s6  }
0xb0: {  	[dreg:$0x4] =	wrdreg $0xC0  }
0xb1: {  	_ =	task [dreg:s8], $0x5FFFF  }
0xb2: {  	[dreg:$0x1] =	wrdreg $0xFFFFFFFF  }
0xb3: {  	[dreg:$0x0] =	wrdreg $0x60  }
0xb4: {  	[dreg:$0x2] =	wrdreg s16  }
0xb5: {  	[dreg:$0x3] =	wrdreg s24  }
0xb6: {  	[dreg:$0x4] =	wrdreg s17  }
0xb7: {  	[dreg:$0x5] =	wrdreg $0x9  }
0xb8: {  	_ =	task.clear_ibuf [dreg:s8], $0x6FFFF;
	_ =	strace $0x90000046  }
0xb9: {  	s29 =	simm.s32 $0x9;
	_ =	strace $0x80000048  }
0xba: {  	_ =	swait.ge [sflag:s29], $0x1  }
0xbb: {  	[sflag:s29] =	ssyncadd.s32 $0xFFFFFFFF  }
0xbc: {  	_ =	strace $0x90000048  }
0xbd: {  	_ =	sfence  }
0xbe: {  	s30 =	sld [smem:$0x0];
	_ =	sdelay $0x2  }
0xbf: {  	s31 =	sshll.u32 s1, $0xD;
	s1 =	sshrl.u32 s1, $0x2  }
0xc0: {  	s3 =	sand.u32 $0x4000, s31;
	s1 =	sadd.s32 s1, s30  }
0xc1: {  	s0 =	sor.u32 s3, s0;
	s1 =	sshll.u32 s1, $0x11  }
0xc2: {  	s0 =	sor.u32 s1, s0  }
0xc3: {  	s0 =	sadd.s32 $0x8F2B, s0  }
0xc4: {  	[sflag:s0] =	ssyncadd.remote.s32 $0x1  }
0xc5: {  	_ =	sfence.sel $0xFFFF  }
0xc6: {  	[dreg:$0x0] =	wrdreg $0xFFFFFFFF;
	(pc) =	sbr.abs _section_cstart, $3  }
0xc7: {  	[dreg:$0x1] =	wrdreg $0xFFFFFFFF  }
0xc8: {  	_ =	task.clear_ibuf [dreg:s8], $0x2FFFF;
	_ =	strace $0x9FFFFFFF  }
0xc9: {  	(tm) =	ssettm $0x7FFFFFFF  }
tec
execute0_lowered:
.L_overlay_start_1:
0x0: {  	(tag) =	ssettag $0x1  }
0x1: {  	s0 =	rddreg [dreg:$0x0]  }
0x2: {  	s1 =	rddreg [dreg:$0x1]  }
0x3: {  	s2 =	rddreg [dreg:$0x2]  }
0x4: {  	s3 =	srdreg.scid;
	s4 =	stileid.u32  }
0x5: {  	s7 =	simm.s32 $0x0;
	s3 =	sand.u32 $0x1, s3;
	s4 =	sshll.u32 s4, $0x1  }
0x6: {  	[smem:$0x7FF] =	sst s7;
	s4 =	sor.u32 s3, s4  }
0x7: {  	s3 =	ssub.s32 $0x2, s3;
	_ =	strace $0x80000047;
	s5 =	sshll.u32 s4, $0xC  }
0x8: {  	s6 =	sshrl.u32 s3, $0x1;
	s1 =	sadd.s32 s5, s1;
	s0 =	sadd.s32 s0, s5  }
0x9: {  	s30 =	sshll.u32 s4, $0x9;
	[dreg:$0x8] =	wrdreg s0;
	s29 =	sadd.s32 $0xC00, s1  }
0xa: {  	s3 =	ssub.s32 s3, s6;
	s0 =	sadd.s32 s2, s30;
	[dreg:$0x9] =	wrdreg s29  }
0xb: {  	v0 =	vlaneseq.u32;
	vm0 =	vmmov $0xff;
	v4 =	vimm.f32 $0.0e+00;
	s21 =	simm.s32 $0x8000;
	s31 =	smax.u32 s3, $0x1;
	[dreg:$0xa] =	wrdreg s0  }
0xc: {  	v1 =	vor.u32 $0x10, v0;
	v2 =	vor.u32 $0x20, v0;
	v3 =	vor.u32 $0x30, v0;
	s1 =	simm.s32 $0x1;
	s2 =	simm.s32 $0x0;
	[dreg:$0xb] =	wrdreg s31  }
.LBB2_1:
0xd: {  	[dreg:$0xc] =	wrdreg s2  }
0xe: {  	s0 =	rddreg [dreg:$0x8]  }
0xf: {  	[tilespmem:s7], [sflag:$0x1] =	stream.linear.gather [hbm4b:s0+s7], $0x8000, $0x38;
	[tilespmem:$0x11000] =	vst v63  }
0x10: {  	_ =	swait.ge [sflag:s1], $0x8000  }
0x11: {  	[sflag:s1] =	ssyncset.done $0x0  }
0x12: {  	s31 =	simm.s32 $0x40;
	s19 =	simm.s32 $0x20;
	[sflag:s1] =	ssyncadd.s32 $0xFFFF8000  }
0x13: {  	s23 =	sor.u32 $0x50, s31;
	v5 =	vld [tilespmem:s19+$0x20]  }
0x14: {  	s30 =	sor.u32 $0x60, s31;
	v6 =	vld [tilespmem:s23+$0x0]  }
0x15: {  	s7 =	sor.u32 $0x70, s31;
	v7 =	vld [tilespmem:s30+$0x0]  }
0x16: {  	v8 =	vld [tilespmem:s7+$0x0];
	_ =	sdelay $0x1  }
0x17: {  	(xrf1) =	vsort.dscd.msk.f32 $0xffff, v5, v0  }
0x18: {  	(xrf1) =	vsort.ascd.msk.f32 $0xffff, v6, v1  }
0x19: {  	(xrf1) =	vsort.dscd.msk.f32 $0xffff, v7, v2  }
0x1a: {  	(xrf1) =	vsort.ascd.msk.f32 $0xffff, v8, v3  }
0x1b: {  	v5 =	vld [tilespmem:s19+$0xFFFFFFE0]  }
0x1c: {  	v6 =	vld [tilespmem:s19+$0xFFFFFFF0]  }
0x1d: {  	v7 =	vld [tilespmem:s19+$0x0]  }
0x1e: {  	v8 =	vld [tilespmem:s19+$0x10];
	_ =	sdelay $0x1  }
0x1f: {  	s4 =	simm.s32 $0xC0;
	s20 =	simm.s32 $0xA0;
	(xrf1) =	vsort.dscd.msk.f32 $0xffff, v5, v0  }
0x20: {  	s3 =	sor.u32 $0x50, s4;
	v9 =	vld [tilespmem:s20+$0x20];
	(xrf1) =	vsort.ascd.msk.f32 $0xffff, v6, v1  }
0x21: {  	s0 =	sor.u32 $0x60, s4;
	v5 =	vld [tilespmem:s3+$0x0];
	(xrf1) =	vsort.dscd.msk.f32 $0xffff, v7, v2  }
0x22: {  	v6 =	vld [tilespmem:s0+$0x0];
	(xrf1) =	vsort.ascd.msk.f32 $0xffff, v8, v3;
	_ =	sdelay $0x1  }
0x23: {  	v7, v8, _ =	vpop (xrf1)  }
0x24: {  	s1 =	sor.u32 $0x70, s4;
	(xrf1) =	vsort.dscd.msk.f32 $0xffff, v9, v0;
	v10, v11, _ =	vpop (xrf1)  }
0x25: {  	(xrf1) =	vsort.ascd.msk.f32 $0xffff, v5, v1;
	v5 =	vld [tilespmem:s1+$0x0];
	v9, v12, _ =	vpop (xrf1)  }
0x26: {  	(xrf1) =	vsort.dscd.msk.f32 $0xffff, v6, v2;
	v6 =	vsel vm0, v7, v10;
	v8 =	vsel vm0, v8, v11;
	v7, v10, _ =	vpop (xrf1)  }
0x27: {  	(xrf1) =	vsort.dscd.msk.f32 $0xffff, v6, v8;
	v7 =	vsel vm0, v9, v7;
	v9 =	vsel vm0, v12, v10  }
0x28: {  	(xrf1) =	vsort.ascd.msk.f32 $0xffff, v7, v9  }
0x29: {  	v6 =	vld [tilespmem:s20+$0xFFFFFFE0]  }
0x2a: {  	(xrf1) =	vsort.ascd.msk.f32 $0xffff, v5, v3;
	v5 =	vld [tilespmem:s20+$0xFFFFFFF0]  }
0x2b: {  	v7 =	vld [tilespmem:s20+$0x0]  }
0x2c: {  	v8 =	vld [tilespmem:s20+$0x10];
	v9, v10, _ =	vpop (xrf1)  }
0x2d: {  	v11, v12, _ =	vpop (xrf1)  }
0x2e: {  	s22 =	simm.s32 $0x120;
	(xrf1) =	vsort.dscd.msk.f32 $0xffff, v6, v0;
	v6, v13, _ =	vpop (xrf1)  }
0x2f: {  	s13 =	simm.s32 $0x140;
	v10 =	vsel vm0, v10, v12;
	v14, v15, _ =	vpop (xrf1);
	(xrf1) =	vsort.ascd.msk.f32 $0xffff, v5, v1;
	v5 =	vld [tilespmem:s22+$0x20]  }
0x30: {  	s11 =	sor.u32 $0x50, s13;
	v9 =	vsel vm0, v9, v11;
	v13 =	vsel vm0, v13, v15;
	(xrf1) =	vsort.dscd.msk.f32 $0xffff, v7, v2  }
0x31: {  	s16 =	sor.u32 $0x60, s13;
	v6 =	vsel vm0, v6, v14;
	v7 =	vld [tilespmem:s11+$0x0];
	(xrf1) =	vsort.ascd.msk.f32 $0xffff, v8, v3  }
0x32: {  	v12 =	vld [tilespmem:s16+$0x0];
	v8, v11, _ =	vpop (xrf1);
	(xrf1) =	vsort.dscd.msk.f32 $0xffff, v9, v10  }
0x33: {  	v9, v10, _ =	vpop (xrf1);
	(xrf1) =	vsort.ascd.msk.f32 $0xffff, v6, v13  }
0x34: {  	v6, v13, _ =	vpop (xrf1);
	(xrf1) =	vsort.dscd.msk.f32 $0xffff, v5, v0  }
0x35: {  	v5, v14, _ =	vpop (xrf1)  }
0x36: {  	(xrf1) =	vsort.ascd.msk.f32 $0xffff, v7, v1;
	v7, v15, _ =	vpop (xrf1)  }
0x37: {  	s12 =	sor.u32 $0x70, s13;
	(xrf1) =	vsort.dscd.msk.f32 $0xffff, v12, v2;
	v5 =	vsel vm0, v5, v7;
	v7 =	vsel vm0, v14, v15  }
0x38: {  	v8 =	vsel vm0, v8, v9;
	v9 =	vld [tilespmem:s12+$0x0];
	v10 =	vsel vm0, v11, v10;
	v12, v14, _ =	vpop (xrf1);
	(xrf1) =	vsort.dscd.msk.f32 $0xffff, v5, v7  }
0x39: {  	v5 =	vsel vm0, v6, v12;
	v6 =	vsel vm0, v13, v14;
	v7 =	vld [tilespmem:s22+$0xFFFFFFE0];
	(xrf1) =	vsort.dscd.msk.f32 $0xffff, v8, v10  }
0x3a: {  	(xrf1) =	vsort.ascd.msk.f32 $0xffff, v5, v6;
	v5 =	vld [tilespmem:s22+$0xFFFFFFF0]  }
0x3b: {  	v6 =	vld [tilespmem:s22+$0x0]  }
0x3c: {  	v8 =	vld [tilespmem:s22+$0x10];
	v10, v11, _ =	vpop (xrf1)  }
0x3d: {  	(xrf1) =	vsort.ascd.msk.f32 $0xffff, v9, v3;
	v9, v12, _ =	vpop (xrf1)  }
0x3e: {  	v13, v14, _ =	vpop (xrf1);
	(xrf1) =	vsort.dscd.msk.f32 $0xffff, v7, v0  }
0x3f: {  	v7, v15, _ =	vpop (xrf1);
	(xrf1) =	vsort.ascd.msk.f32 $0xffff, v5, v1  }
0x40: {  	v9 =	vsel vm0, v10, v9;
	v5, v16, _ =	vpop (xrf1);
	(xrf1) =	vsort.dscd.msk.f32 $0xffff, v6, v2  }
0x41: {  	s6 =	simm.s32 $0x1C0;
	s24 =	simm.s32 $0x1A0;
	v10 =	vsel vm0, v11, v12;
	v7 =	vsel vm0, v13, v7;
	v11, v12, _ =	vpop (xrf1);
	(xrf1) =	vsort.ascd.msk.f32 $0xffff, v8, v3  }
0x42: {  	s17 =	sor.u32 $0x50, s6;
	v13 =	vsel vm0, v14, v15;
	v6 =	vld [tilespmem:s24+$0x20];
	v14, v15, _ =	vpop (xrf1);
	(xrf1) =	vsort.dscd.msk.f32 $0xffff, v9, v10;
	v9 =	vsel vm0, v16, v12  }
0x43: {  	s18 =	sor.u32 $0x60, s6;
	v8 =	vld [tilespmem:s17+$0x0];
	v5 =	vsel vm0, v5, v11  }
0x44: {  	v10, v11, _ =	vpop (xrf1);
	(xrf1) =	vsort.ascd.msk.f32 $0xffff, v7, v13;
	v7 =	vld [tilespmem:s18+$0x0];
	_ =	sdelay $0x1  }
0x45: {  	(xrf1) =	vsort.dscd.msk.f32 $0xffff, v5, v9;
	v5, v9, _ =	vpop (xrf1)  }
0x46: {  	(xrf1) =	vsort.dscd.msk.f32 $0xffff, v6, v0;
	v6, v12, _ =	vpop (xrf1)  }
0x47: {  	(xrf1) =	vsort.ascd.msk.f32 $0xffff, v8, v1;
	v13, v16, _ =	vpop (xrf1)  }
0x48: {  	v8 =	vnsel vm0, $0x0, v6;
	(xrf1) =	vsort.dscd.msk.f32 $0xffff, v7, v2;
	v6, v17, _ =	vpop (xrf1)  }
0x49: {  	s5 =	simm.s32 $0x1C0;
	(xrf2) =	vadd.scan.msk.f32 $0xffff, v8;
	v6 =	vsel vm0, v13, v6;
	v7 =	vsel vm0, v16, v17  }
0x4a: {  	s14 =	sor.u32 $0x70, s6;
	[dreg:$0x4] =	wrdreg s5;
	v11 =	vsel vm0, v15, v11;
	(xrf1) =	vsort.dscd.msk.f32 $0xffff, v6, v7;
	v6 =	vsel vm0, v14, v10;
	v10, v13, _ =	vpop (xrf1)  }
0x4b: {  	v7 =	vld [tilespmem:s14+$0x0];
	v9 =	vsel vm0, v9, v13  }
0x4c: {  	v5 =	vsel vm0, v5, v10;
	(xrf1) =	vsort.dscd.msk.f32 $0xffff, v6, v11;
	v6 =	vld [tilespmem:s24+$0xFFFFFFE0]  }
0x4d: {  	v11, v13, _ =	vpop (xrf1);
	(xrf1) =	vsort.ascd.msk.f32 $0xffff, v5, v9;
	v5 =	vld [tilespmem:s24+$0xFFFFFFF0]  }
0x4e: {  	v15 =	vld [tilespmem:s24+$0x0];
	v9, v14, _ =	vpop (xrf1)  }
0x4f: {  	v16, v17, _ =	vpop (xrf1)  }
0x50: {  	v18 =	vld [tilespmem:s24+$0x10];
	v19, v20, _ =	vpop (xrf1);
	(xrf1) =	vsort.ascd.msk.f32 $0xffff, v7, v3  }
0x51: {  	v7, v21, _ =	vpop (xrf1);
	(xrf1) =	vsort.dscd.msk.f32 $0xffff, v6, v0  }
0x52: {  	v6, v22, _ =	vpop (xrf1);
	(xrf1) =	vsort.ascd.msk.f32 $0xffff, v5, v1  }
0x53: {  	s25 =	simm.s32 $0x220;
	s15 =	simm.s32 $0x240;
	v9 =	vsel vm0, v11, v9;
	v11 =	vsel vm0, v13, v14;
	(xrf1) =	vsort.dscd.msk.f32 $0xffff, v15, v2;
	v15, _, _ =	vpop (xrf2)  }
0x54: {  	s6 =	sor.u32 $0x50, s15;
	v23 =	vld [tilespmem:s25+$0x20];
	v5, v10, _ =	vpop (xrf1);
	(v2sf) =	vpush v15, $0xF;
	v15 =	vsel vm0, v16, v19;
	v16 =	vsel vm0, v17, v20  }
0x55: {  	[dreg:$0x5] =	wrdreg s6;
	v6 =	vsel vm0, v7, v6;
	(xrf1) =	vsort.ascd.msk.f32 $0xffff, v18, v3;
	v13, v14, _ =	vpop (xrf1)  }
0x56: {  	v7 =	vsel vm0, v21, v22;
	(xrf1) =	vsort.dscd.msk.f32 $0xffff, v9, v11;
	v9 =	vld [tilespmem:s6+$0x0];
	v11, v17, _ =	vpop (xrf1)  }
0x57: {  	(xrf1) =	vsort.ascd.msk.f32 $0xffff, v15, v16;
	v16, v18, _ =	vpop (xrf1)  }
0x58: {  	s19 =	sor.u32 $0x60, s15;
	(xrf1) =	vsort.dscd.msk.f32 $0xffff, v6, v7;
	v6, v20, _ =	vpop (xrf1)  }
0x59: {  	v15 =	vld [tilespmem:s19+$0x0];
	(xrf1) =	vsort.dscd.msk.f32 $0xffff, v23, v0;
	v19 =	vnsel vm0, $0x0, v6  }
0x5a: {  	v6, v7, _ =	vpop (xrf1);
	(xrf2) =	vadd.scan.msk.f32 $0xffff, v19  }
0x5b: {  	(xrf1) =	vsort.ascd.msk.f32 $0xffff, v9, v1;
	v9, v21, _ =	vpop (xrf1)  }
0x5c: {  	v7 =	vsel vm0, v7, v21  }
0x5d: {  	s26 =	sor.u32 $0x70, s15  }
0x5e: {  	(xrf1) =	vsort.dscd.msk.f32 $0xffff, v15, v2;
	v6 =	vsel vm0, v6, v9;
	v9 =	vld [tilespmem:s26+$0x0]  }
0x5f: {  	(xrf1) =	vsort.dscd.msk.f32 $0xffff, v6, v7;
	v6 =	vsel vm0, v13, v11;
	v13 =	vsel vm0, v14, v17;
	v7, v11, _ =	vpop (xrf1)  }
0x60: {  	v14 =	vld [tilespmem:s25+$0xFFFFFFE0];
	(xrf1) =	vsort.dscd.msk.f32 $0xffff, v6, v13;
	v7 =	vsel vm0, v16, v7;
	v11 =	vsel vm0, v18, v11  }
0x61: {  	v13 =	vld [tilespmem:s25+$0xFFFFFFF0];
	(xrf1) =	vsort.ascd.msk.f32 $0xffff, v7, v11  }
0x62: {  	v15, v16, _ =	vpop (xrf1);
	v7 =	vld [tilespmem:s25+$0x0]  }
0x63: {  	v6 =	vnsel vm0, $0x0, v5;
	v18 =	vld [tilespmem:s25+$0x10];
	(xrf1) =	vsort.ascd.msk.f32 $0xffff, v9, v3;
	v11, v17, _ =	vpop (xrf1)  }
0x64: {  	(xrf2) =	vadd.scan.msk.f32 $0xffff, v6;
	s8 =	spop (v2sf);
	v5, _, _ =	vpop (xrf2)  }
0x65: {  	(xrf1) =	vsort.dscd.msk.f32 $0xffff, v14, v0;
	v21, v22, _ =	vpop (xrf1);
	s2 =	sadd.f32 $9.999999930e-09, s8;
	(v2sf) =	vpush v5, $0xF  }
0x66: {  	s20 =	simm.s32 $0x2C0;
	(xrf1) =	vsort.ascd.msk.f32 $0xffff, v13, v1;
	v9, v23, _ =	vpop (xrf1)  }
0x67: {  	s9 =	simm.s32 $0x2A0;
	s10 =	sor.u32 $0x50, s20;
	v11 =	vsel vm0, v15, v11;
	v15 =	vsel vm0, v16, v17;
	v14, v24, _ =	vpop (xrf1);
	(xrf1) =	vsort.dscd.msk.f32 $0xffff, v7, v2;
	v17 =	vmov s2  }
0x68: {  	v7 =	vld [tilespmem:s9+$0x20];
	[dreg:$0x6] =	wrdreg s10;
	v9 =	vsel vm0, v21, v9;
	v21 =	vsel vm0, v22, v23;
	v13, v25, _ =	vpop (xrf1);
	(xrf1) =	vsort.ascd.msk.f32 $0xffff, v18, v3  }
0x69: {  	s22 =	sor.u32 $0x60, s20;
	v18 =	vld [tilespmem:s10+$0x0];
	v16, v5, _ =	vpop (xrf1);
	(xrf1) =	vsort.dscd.msk.f32 $0xffff, v11, v15;
	v11 =	vsel vm0, v14, v13;
	v13 =	vsel vm0, v24, v25  }
0x6a: {  	[dreg:$0x7] =	wrdreg s22;
	(erf) = vrcp.f32 v17;
	v17, v22, _ =	vpop (xrf1)  }
0x6b: {  	(xrf1) =	vsort.ascd.msk.f32 $0xffff, v9, v21;
	v9 =	vld [tilespmem:s22+$0x0];
	v14, v15, _ =	vpop (xrf1)  }
0x6c: {  	(xrf1) =	vsort.dscd.msk.f32 $0xffff, v11, v13;
	v13, v21, _ =	vpop (xrf1)  }
0x6d: {  	(xrf1) =	vsort.dscd.msk.f32 $0xffff, v7, v0;
	v11, v7, _ =	vpop (xrf1)  }
0x6e: {  	(xrf1) =	vsort.ascd.msk.f32 $0xffff, v18, v1;
	v11 =	vnsel vm0, $0x0, v11;
	v18, v23, _ =	vpop (xrf1)  }
0x6f: {  	s28 =	sor.u32 $0x70, s20;
	(xrf2) =	vadd.scan.msk.f32 $0xffff, v11;
	v24, v25, _ =	vpop (xrf1)  }
0x70: {  	s6 =	simm.s32 $0x8020;
	v27 =	vld [tilespmem:s28+$0x0];
	(xrf1) =	vsort.dscd.msk.f32 $0xffff, v9, v2;
	v9 =	vsel vm0, v18, v24;
	v18 =	vsel vm0, v23, v25  }
0x71: {  	[tilespmem:s6+$0x20] =	vst v4;
	v14 =	vsel vm0, v17, v14;
	v15 =	vsel vm0, v22, v15;
	v23 =	vld [tilespmem:s9+$0xFFFFFFE0];
	v17, v24, _ =	vpop (xrf1);
	(xrf1) =	vsort.dscd.msk.f32 $0xffff, v9, v18  }
0x72: {  	[tilespmem:s6+$0xFFFFFFE0] =	vst v4;
	v26, _, _ =	vpop (xrf2);
	v18 =	vld [tilespmem:s9+$0xFFFFFFF0];
	v13 =	vsel vm0, v13, v17;
	v17 =	vsel vm0, v21, v24;
	(xrf1) =	vsort.dscd.msk.f32 $0xffff, v14, v15  }
0x73: {  	[tilespmem:s6+$0xFFFFFFF0] =	vst v4;
	v22 =	vpop (erf);
	(xrf1) =	vsort.ascd.msk.f32 $0xffff, v13, v17  }
0x74: {  	[tilespmem:s6+$0x0] =	vst v4;
	v9 =	vnsel vm0, $0x0, v16;
	v14 =	vld [tilespmem:s9+$0x0];
	v15, v16, _ =	vpop (xrf1);
	s24 =	spop (v2sf)  }
0x75: {  	s5 =	simm.s32 $0x80A0;
	[tilespmem:s6+$0x10] =	vst v4;
	(v2sf) =	vpush v26, $0xF;
	v13 =	vld [tilespmem:s9+$0x10];
	(xrf1) =	vsort.ascd.msk.f32 $0xffff, v27, v3;
	v17, v21, _ =	vpop (xrf1);
	s2 =	sadd.f32 $9.999999930e-09, s24  }
0x76: {  	[tilespmem:s5+$0x20] =	vst v4;
	(xrf1) =	vsort.dscd.msk.f32 $0xffff, v23, v0;
	v24, v25, _ =	vpop (xrf1)  }
0x77: {  	s25 =	simm.s32 $0x8;
	[tilespmem:s5+$0xFFFFFFE0] =	vst v4;
	(xrf1) =	vsort.ascd.msk.f32 $0xffff, v18, v1;
	v18 =	vmul.f32 v22, v8;
	v26, v27, _ =	vpop (xrf1);
	v8 =	vmov s2  }
0x78: {  	v28 =	vadd.s32 s25, v0;
	[tilespmem:s23+$0x8000] =	vst v4;
	(xrf2) =	vadd.scan.msk.f32 $0xffff, v9;
	v23 =	vadd.s32 s31, v12;
	v29, v30, _ =	vpop (xrf1)  }
0x79: {  	[tilespmem:s30+$0x8000] =	vst v4;
	(xrf1) =	vsort.dscd.msk.f32 $0xffff, v14, v2;
	v14 =	vsel vm0, v15, v17;
	v15 =	vsel vm0, v16, v21;
	v16, _, _ =	vpop (xrf2)  }
0x7a: {  	s25 =	simm.s32 $0x340;
	(xrf1) =	vsort.ascd.msk.f32 $0xffff, v13, v3;
	v13 =	vsel vm0, v24, v26;
	v17 =	vsel vm0, v25, v27;
	s2 =	simm.s32 $0x320;
	v22, v31, _ =	vpop (xrf1);
	(v2sf) =	vpush v16, $0xF  }
0x7b: {  	s30 =	sor.u32 $0x50, s25;
	(erf) = vrcp.f32 v8;
	(xrf1) =	vsort.dscd.msk.f32 $0xffff, v14, v15;
	v14 =	vsel vm0, v29, v22;
	v15 =	vsel vm0, v30, v31;
	v22 =	vld [tilespmem:s2+$0x20];
	v21, v8, _ =	vpop (xrf1)  }
0x7c: {  	s8 =	simm.s32 $0x8000;
	[tilespmem:s7+$0x8000] =	vst v4;
	(xrf1) =	vsort.ascd.msk.f32 $0xffff, v13, v17;
	v13 =	vld [tilespmem:s30+$0x0];
	v24, v25, _ =	vpop (xrf1)  }
0x7d: {  	s7 =	sor.u32 $0x60, s25;
	s9 =	simm.s32 $0x10000;
	[tilespmem:v23+s8+$0x0] =	vst.idx.msk $0xff, v18;
	(xrf1) =	vsort.dscd.msk.f32 $0xffff, v14, v15;
	v26, v27, _ =	vpop (xrf1)  }
0x7e: {  	[tilespmem:v28+s9+$0x0] =	vst.idx.msk $0xff, v12;
	v28 =	vld [tilespmem:s7+$0x0];
	v23, v29, _ =	vpop (xrf1)  }
0x7f: {  	[tilespmem:s5+$0xFFFFFFF0] =	vst v4;
	v12, v15, _ =	vpop (xrf1)  }
0x80: {  	[tilespmem:s5+$0x0] =	vst v4;
	(xrf1) =	vsort.dscd.msk.f32 $0xffff, v22, v0;
	v22, v31, _ =	vpop (xrf1)  }
0x81: {  	[tilespmem:s5+$0x10] =	vst v4;
	(xrf1) =	vsort.ascd.msk.f32 $0xffff, v13, v1;
	v18 =	vnsel vm0, $0x0, v12;
	v32, v33, _ =	vpop (xrf1)  }
0x82: {  	[tilespmem:s3+$0x8000] =	vst v4;
	v30, _, _ =	vpop (xrf2);
	v24 =	vsel vm0, v24, v26;
	(xrf2) =	vadd.scan.msk.f32 $0xffff, v18;
	v26 =	vsel vm0, v31, v33  }
0x83: {  	s31 =	sor.u32 $0x70, s25;
	v13 =	vnsel vm0, $0x0, v21;
	v21 =	vadd.s32 s4, v20;
	s4 =	simm.s32 $0x18;
	(xrf1) =	vsort.dscd.msk.f32 $0xffff, v28, v2;
	v28, v36, _ =	vpop (xrf1);
	v22 =	vsel vm0, v22, v32  }
0x84: {  	[tilespmem:s0+$0x8000] =	vst v4;
	s29 =	smov.u32 s7;
	v37 =	vld [tilespmem:s31+$0x0];
	s7 =	spop (v2sf);
	v35 =	vadd.s32 s4, v0;
	v34 =	vpop (erf);
	v23 =	vsel vm0, v23, v28  }
0x85: {  	s10 =	simm.s32 $0x0;
	[tilespmem:s1+$0x8000] =	vst v4;
	v61 =	vld [tilespmem:s2+$0xFFFFFFE0];
	s3 =	sadd.f32 $9.999999930e-09, s7;
	(xrf2) =	vadd.scan.msk.f32 $0xffff, v13;
	v31, v60, _ =	vpop (xrf1)  }
0x86: {  	s23 =	simm.s32 $0x0;
	v62 =	vld [tilespmem:s2+$0xFFFFFFF0];
	v16 =	vadd.s32 s10, v10;
	v25 =	vsel vm0, v25, v27;
	v19 =	vmul.f32 v34, v19;
	(xrf1) =	vsort.dscd.msk.f32 $0xffff, v22, v26;
	v22, v26, _ =	vpop (xrf1)  }
0x87: {  	s22 =	simm.s32 $0x80;
	v63 =	vld [tilespmem:s2+$0x0];
	v17 =	vor.u32 s23, v0;
	v27 =	vsel vm0, v29, v36;
	v29 =	vmov s3;
	(xrf1) =	vsort.dscd.msk.f32 $0xffff, v24, v25;
	v24, v28, _ =	vpop (xrf1)  }
0x88: {  	v38 =	vld [tilespmem:s2+$0x10];
	v14 =	vadd.s32 s22, v5;
	(v2sf) =	vpush v30, $0xF;
	[tilespmem:v21+s8+$0x0] =	vst.idx.msk $0xff, v19;
	(xrf1) =	vsort.ascd.msk.f32 $0xffff, v23, v27;
	v21, v23, _ =	vpop (xrf1)  }
0x89: {  	s24 =	simm.s32 $0x100;
	(erf) = vrcp.f32 v29;
	[tilespmem:v35+s9+$0x0] =	vst.idx.msk $0xff, v20;
	v25 =	vsel vm0, v31, v22;
	(xrf1) =	vsort.ascd.msk.f32 $0xffff, v37, v3;
	s22 =	spop (v2sf);
	v22, v30, _ =	vpop (xrf1)  }
0x8a: {  	s10 =	simm.s32 $0x10;
	v12 =	vadd.s32 s24, v8;
	v26 =	vsel vm0, v60, v26;
	v27 =	vsel vm0, v24, v21;
	(xrf1) =	vsort.dscd.msk.f32 $0xffff, v61, v0;
	s24 =	sadd.f32 $9.999999930e-09, s22;
	v29, v31, _ =	vpop (xrf1)  }
0x8b: {  	s23 =	simm.s32 $0x180;
	v19 =	vor.u32 s10, v0;
	v28 =	vsel vm0, v28, v23;
	v21, v20, _ =	vpop (xrf1);
	(xrf1) =	vsort.ascd.msk.f32 $0xffff, v62, v1;
	v29 =	vsel vm0, v22, v29  }
0x8c: {  	s6 =	simm.s32 $0xC;
	s0 =	simm.s32 $0x300;
	s1 =	simm.s32 $0x280;
	v30 =	vsel vm0, v30, v31;
	v23, _, _ =	vpop (xrf2);
	v24 =	vmov s24;
	v22 =	vadd.s32 s23, v20;
	(xrf1) =	vsort.dscd.msk.f32 $0xffff, v63, v2  }
0x8d: {  	s2 =	simm.s32 $0x3C0;
	s7 =	simm.s32 $0x3A0;
	s3 =	simm.s32 $0x200;
	v21 =	vnsel vm0, $0x0, v21;
	(v2sf) =	vpush v23, $0xF;
	(erf) = vrcp.f32 v24;
	(xrf1) =	vsort.ascd.msk.f32 $0xffff, v38, v3  }
.LBB2_2:
0x8e: {  	_ =	sdelay $0x1  }
0x8f: {  	v31, v32, _ =	vpop (xrf1)  }
0x90: {  	v24 =	vld [tilespmem:s7+$0x20];
	(xrf1) =	vsort.dscd.msk.f32 $0xffff, v25, v26;
	v23 =	vmov v8;
	v8 =	vmov v20;
	v26, v33, _ =	vpop (xrf1)  }
0x91: {  	v20 =	vmov v14;
	v14 =	vmov v12;
	v12 =	vmov v22;
	v22 =	vld [tilespmem:s7+$0xFFFFFFE0];
	(xrf1) =	vsort.ascd.msk.f32 $0xffff, v27, v28;
	v27 =	vpop (erf)  }
0x92: {  	s9 =	sor.u32 $0x50, s2;
	v34 =	vld [tilespmem:s7+$0xFFFFFFF0];
	v27 =	vmul.f32 v27, v6  }
0x93: {  	s24 =	smov.u32 s19;
	s22 =	rddreg [dreg:$0x4];
	v25 =	vld [tilespmem:s9+$0x0]  }
0x94: {  	s8 =	sor.u32 $0x60, s2;
	s5 =	sadd.s32 $0x80, s5;
	v6 =	vmovc v9;
	v9 =	vmov v13;
	v13 =	vmov v21;
	v21 =	vld [tilespmem:s7+$0x0];
	[tilespmem:v16+s21+$0x0] =	vst.idx.msk $0xff, v27;
	v27 =	vadd.s32 s13, v7;
	s13 =	smov.u32 s22  }
0x95: {  	(xrf1) =	vsort.dscd.msk.f32 $0xffff, v29, v30;
	s22 =	smov.u32 s18;
	s18 =	smov.u32 s16;
	s16 =	smov.u32 s15  }
0x96: {  	s19 =	smov.u32 s17;
	s17 =	smov.u32 s11;
	v28 =	vld [tilespmem:s8+$0x0];
	[tilespmem:s5+$0x20] =	vst v4;
	v29, v30, _ =	vpop (xrf1);
	s15 =	smov.u32 s16  }
0x97: {  	[tilespmem:s17+$0x8000] =	vst v4;
	(xrf1) =	vsort.dscd.msk.f32 $0xffff, v24, v0;
	v24, v37, _ =	vpop (xrf1);
	[dreg:$0x4] =	wrdreg s15;
	s15 =	smov.u32 s20;
	s20 =	sor.u32 $0x70, s2  }
0x98: {  	v26 =	vsel vm0, v31, v26;
	(xrf1) =	vsort.ascd.msk.f32 $0xffff, v25, v1;
	v24 =	vnsel vm0, $0x0, v24;
	v35, _, _ =	vpop (xrf2);
	s23 =	spop (v2sf);
	v31 =	vld [tilespmem:s20+$0x0];
	[tilespmem:s18+$0x8000] =	vst v4  }
0x99: {  	(xrf2) =	vadd.scan.msk.f32 $0xffff, v24;
	v16 =	vmov v20;
	v20, v25, _ =	vpop (xrf1);
	s11 =	sadd.f32 $9.999999930e-09, s23;
	s23 =	simm.s32 $0x10000;
	[tilespmem:s12+$0x8000] =	vst v4  }
0x9a: {  	s4 =	sadd.s32 $0x10, s4;
	s6 =	sadd.s32 $0x2, s6;
	(xrf2) =	vadd.scan.msk.f32 $0xffff, v13;
	v59 =	vld [tilespmem:s7+$0x10];
	s16 =	rddreg [dreg:$0x6];
	[tilespmem:v17+s23+$0x0] =	vst.idx.msk $0xff, v10;
	v10, v38, _ =	vpop (xrf1)  }
0x9b: {  	v39 =	vadd.s32 s4, v0;
	s18 =	smov.u32 s24;
	s12 =	rddreg [dreg:$0x7];
	(xrf1) =	vsort.dscd.msk.f32 $0xffff, v28, v2;
	v28 =	vpop (erf);
	v36 =	vmov s11;
	s11 =	sadd.s32 $0xFFFFFFF8, s4;
	[tilespmem:s5+$0xFFFFFFE0] =	vst v4  }
0x9c: {  	s24 =	spop (v2sf);
	v17 =	vmov v19;
	v40, v41, _ =	vpop (xrf1);
	v10 =	vsel vm0, v20, v10;
	[tilespmem:s5+$0xFFFFFFF0] =	vst v4;
	v19 =	vor.u32 s11, v0;
	s11 =	smov.u32 s19;
	s19 =	rddreg [dreg:$0x5]  }
0x9d: {  	v42 =	vsel vm0, v25, v38;
	v60 =	vmul.f32 v28, v11;
	[tilespmem:s5+$0x0] =	vst v4;
	v43 =	vsel vm0, v29, v40;
	v29, v61, _ =	vpop (xrf1);
	s17 =	smov.u32 s19;
	s19 =	smov.u32 s16;
	s16 =	smov.u32 s22  }
0x9e: {  	v25 =	vsel vm0, v32, v33;
	[tilespmem:s5+$0x10] =	vst v4;
	(xrf1) =	vsort.dscd.msk.f32 $0xffff, v10, v42;
	v62 =	vsel vm0, v30, v41;
	v63, v30, _ =	vpop (xrf1);
	s22 =	smov.u32 s29;
	s29 =	smov.u32 s8;
	s8 =	sadd.f32 $9.999999930e-09, s24  }
0x9f: {  	s10 =	sadd.s32 $0xFFFFFFC0, s2;
	p0 =	slt.u32 s6, $0x1FE;
	v11 =	vmov v18;
	(xrf1) =	vsort.dscd.msk.f32 $0xffff, v26, v25;
	[tilespmem:v27+s21+$0x0] =	vst.idx.msk $0xff, v60;
	[dreg:$0x5] =	wrdreg s19;
	v18, v20, _ =	vpop (xrf1)  }
0xa0: {  	s7 =	sadd.s32 $0x80, s7;
	(v2sf) =	vpush v35, $0xF;
	s19 =	smov.u32 s30;
	[dreg:$0x7] =	wrdreg s22;
	v25 =	vsel vm0, v29, v63;
	(xrf1) =	vsort.ascd.msk.f32 $0xffff, v43, v62;
	[tilespmem:v39+s23+$0x0] =	vst.idx.msk $0xff, v7;
	v10, v28, _ =	vpop (xrf1)  }
.Ltmp0:
0xa1: {  	(erf) = vrcp.f32 v36;
	s30 =	smov.u32 s9;
	[dreg:$0x6] =	wrdreg s19;
	(xrf1) =	vsort.ascd.msk.f32 $0xffff, v31, v3;
	v27 =	vsel vm0, v18, v10;
	v28 =	vsel vm0, v20, v28;
	v10, v20, _ =	vpop (xrf1);
	(pc) =	sbr.rel @p0 .LBB2_2-.Ltmp0, $4  }
0xa2: {  	v26 =	vsel vm0, v61, v30;
	v7 =	vmov v15;
	s19 =	smov.u32 s12;
	s12 =	smov.u32 s14;
	s14 =	smov.u32 s26;
	(xrf1) =	vsort.dscd.msk.f32 $0xffff, v22, v0;
	v18 =	vmov v24;
	v22, v30, _ =	vpop (xrf1)  }
0xa3: {  	s26 =	smov.u32 s28;
	s28 =	smov.u32 s31;
	s31 =	smov.u32 s20;
	v24 =	vmov s8;
	(xrf1) =	vsort.ascd.msk.f32 $0xffff, v34, v1;
	v29 =	vsel vm0, v10, v22;
	v30 =	vsel vm0, v20, v30;
	v10, v20, _ =	vpop (xrf1)  }
0xa4: {  	v15 =	vmov v37;
	s20 =	smov.u32 s25;
	s25 =	smov.u32 s2;
	s2 =	sadd.s32 $0x80, s2;
	(erf) = vrcp.f32 v24;
	(xrf1) =	vsort.dscd.msk.f32 $0xffff, v21, v2;
	v21 =	vnsel vm0, $0x0, v10;
	v10, _, _ =	vpop (xrf2)  }
0xa5: {  	v22 =	vadd.s32 s3, v20;
	s3 =	smov.u32 s1;
	s1 =	smov.u32 s0;
	s0 =	smov.u32 s10;
	(xrf1) =	vsort.ascd.msk.f32 $0xffff, v59, v3;
	(v2sf) =	vpush v10, $0xF;
	v10 =	vmovc v5;
	v5 =	vmov v23  }
0xa6: {  	_ =	sdelay $0x2  }
0xa7: {  	v23, v31, _ =	vpop (xrf1)  }
0xa8: {  	v32, v33, _ =	vpop (xrf1)  }
0xa9: {  	v34, v35, _ =	vpop (xrf1)  }
0xaa: {  	v36, v24, _ =	vpop (xrf1)  }
0xab: {  	(xrf1) =	vsort.dscd.msk.f32 $0xffff, v25, v26;
	v25, v26, _ =	vpop (xrf1)  }
0xac: {  	(xrf1) =	vsort.ascd.msk.f32 $0xffff, v27, v28;
	v27, v28, _ =	vpop (xrf1)  }
0xad: {  	v23 =	vsel vm0, v23, v32;
	(xrf1) =	vsort.dscd.msk.f32 $0xffff, v29, v30;
	v63, v32, _ =	vpop (xrf1)  }
0xae: {  	v25 =	vsel vm0, v25, v27;
	v26 =	vsel vm0, v26, v28;
	v28 =	vsel vm0, v35, v32  }
0xaf: {  	v37 =	vsel vm0, v31, v33;
	(xrf1) =	vsort.dscd.msk.f32 $0xffff, v25, v26  }
0xb0: {  	v38 =	vsel vm0, v34, v63;
	v39, v40, _ =	vpop (xrf1);
	(xrf1) =	vsort.dscd.msk.f32 $0xffff, v23, v37  }
0xb1: {  	v23, v29, _ =	vpop (xrf1);
	(xrf1) =	vsort.ascd.msk.f32 $0xffff, v38, v28  }
0xb2: {  	v25, v28, _ =	vpop (xrf1)  }
0xb3: {  	v23 =	vsel vm0, v39, v23;
	v41 =	vsel vm0, v40, v29;
	v27, v29, _ =	vpop (xrf1)  }
0xb4: {  	(xrf1) =	vsort.dscd.msk.f32 $0xffff, v23, v41;
	v25 =	vsel vm0, v25, v27;
	v42 =	vsel vm0, v28, v29  }
0xb5: {  	(xrf1) =	vsort.ascd.msk.f32 $0xffff, v25, v42;
	_ =	sdelay $0x4  }
0xb6: {  	v43, v44, _ =	vpop (xrf1)  }
0xb7: {  	v28, v29, _ =	vpop (xrf1)  }
0xb8: {  	v30, v23, _ =	vpop (xrf1)  }
0xb9: {  	s2 =	sadd.s32 $0x80, s5;
	v45, v25, _ =	vpop (xrf1)  }
0xba: {  	[tilespmem:s2+$0x20] =	vst v4;
	v27 =	vsel vm0, v44, v29;
	v46, v47, _ =	vpop (xrf1)  }
0xbb: {  	[tilespmem:s2+$0xFFFFFFE0] =	vst v4;
	v26 =	vsel vm0, v43, v28;
	v48, v49, _ =	vpop (xrf1)  }
0xbc: {  	[tilespmem:s2+$0xFFFFFFF0] =	vst v4;
	(xrf1) =	vsort.dscd.msk.f32 $0xffff, v26, v27;
	v50 =	vsel vm0, v46, v48;
	v51 =	vsel vm0, v47, v49  }
0xbd: {  	[tilespmem:s2+$0x0] =	vst v4;
	(xrf1) =	vsort.dscd.msk.f32 $0xffff, v50, v51  }
0xbe: {  	[tilespmem:s2+$0x10] =	vst v4;
	v34 =	vnsel vm0, $0x0, v36;
	v26, v27, _ =	vpop (xrf1)  }
0xbf: {  	s2 =	sadd.s32 $0x80, s2;
	[tilespmem:s11+$0x8000] =	vst v4;
	(xrf2) =	vadd.scan.msk.f32 $0xffff, v34;
	v52, v53, _ =	vpop (xrf1)  }
0xc0: {  	[tilespmem:s2+$0x20] =	vst v4;
	v26 =	vsel vm0, v26, v52;
	v27 =	vsel vm0, v27, v53  }
0xc1: {  	[tilespmem:s2+$0xFFFFFFE0] =	vst v4;
	(xrf1) =	vsort.dscd.msk.f32 $0xffff, v26, v27  }
0xc2: {  	[tilespmem:s2+$0xFFFFFFF0] =	vst v4  }
0xc3: {  	[tilespmem:s2+$0x0] =	vst v4;
	(xrf2) =	vadd.scan.msk.f32 $0xffff, v21  }
0xc4: {  	[tilespmem:s2+$0x10] =	vst v4  }
0xc5: {  	[tilespmem:s16+$0x8000] =	vst v4  }
0xc6: {  	v54, _, _ =	vpop (xrf2);
	s2 =	sadd.s32 $0x80, s2;
	[tilespmem:s17+$0x8000] =	vst v4  }
0xc7: {  	(v2sf) =	vpush v54, $0xF;
	[tilespmem:s2+$0x20] =	vst v4  }
0xc8: {  	[tilespmem:s12+$0x8000] =	vst v4;
	v31 =	vnsel vm0, $0x0, v45  }
0xc9: {  	[tilespmem:s18+$0x8000] =	vst v4;
	v55, _, _ =	vpop (xrf2);
	(xrf2) =	vadd.scan.msk.f32 $0xffff, v31  }
0xca: {  	[tilespmem:s14+$0x8000] =	vst v4;
	v28 =	vnsel vm0, $0x0, v30;
	(v2sf) =	vpush v55, $0xF;
	v56, v26, _ =	vpop (xrf1)  }
0xcb: {  	s6 =	rddreg [dreg:$0x5];
	[tilespmem:s2+$0xFFFFFFE0] =	vst v4;
	(xrf2) =	vadd.scan.msk.f32 $0xffff, v28;
	v57, v27, _ =	vpop (xrf1)  }
0xcc: {  	[tilespmem:s2+$0xFFFFFFF0] =	vst v4;
	v30 =	vnsel vm0, $0x0, v57  }
0xcd: {  	[tilespmem:s2+$0x0] =	vst v4;
	s22 =	spop (v2sf);
	v58, _, _ =	vpop (xrf2);
	(xrf2) =	vadd.scan.msk.f32 $0xffff, v30  }
0xce: {  	[tilespmem:s2+$0x10] =	vst v4;
	s5 =	sadd.f32 $9.999999930e-09, s22;
	v32 =	vnsel vm0, $0x0, v56  }
0xcf: {  	s2 =	sadd.s32 $0x80, s2;
	[tilespmem:s6+$0x8000] =	vst v4;
	(v2sf) =	vpush v58, $0xF;
	(xrf2) =	vadd.scan.msk.f32 $0xffff, v32;
	v59, v29, _ =	vpop (xrf1)  }
0xd0: {  	[tilespmem:s2+$0x20] =	vst v4;
	v60 =	vmov s5;
	s23 =	spop (v2sf);
	v33 =	vnsel vm0, $0x0, v59  }
0xd1: {  	[tilespmem:s19+$0x8000] =	vst v4;
	(erf) = vrcp.f32 v60;
	s24 =	sadd.f32 $9.999999930e-09, s23;
	(xrf2) =	vadd.scan.msk.f32 $0xffff, v33  }
0xd2: {  	[tilespmem:s26+$0x8000] =	vst v4;
	v40 =	vpop (erf)  }
0xd3: {  	s26 =	rddreg [dreg:$0x6];
	v61 =	vmov s24;
	v62, _, _ =	vpop (xrf2)  }
0xd4: {  	[tilespmem:s26+$0x8000] =	vst v4;
	v6 =	vmul.f32 v40, v6;
	(erf) = vrcp.f32 v61;
	(v2sf) =	vpush v62, $0xF  }
0xd5: {  	s5 =	rddreg [dreg:$0x7];
	v63, _, _ =	vpop (xrf2)  }
0xd6: {  	s8 =	simm.s32 $0x8000;
	[tilespmem:s5+$0x8000] =	vst v4;
	s6 =	spop (v2sf);
	(v2sf) =	vpush v63, $0xF  }
0xd7: {  	s4 =	sadd.s32 $0x10, s4;
	s9 =	simm.s32 $0x10000;
	v37 =	vadd.s32 s13, v7;
	[tilespmem:v16+s8+$0x0] =	vst.idx.msk $0xff, v6;
	s5 =	sadd.f32 $9.999999930e-09, s6;
	v41, _, _ =	vpop (xrf2)  }
0xd8: {  	[tilespmem:v17+s9+$0x0] =	vst.idx.msk $0xff, v10;
	v42 =	vadd.s32 s4, v0;
	v6 =	vpop (erf);
	(v2sf) =	vpush v41, $0xF  }
0xd9: {  	s7 =	rddreg [dreg:$0x4];
	v44 =	vmov s5;
	s11 =	spop (v2sf);
	v43, _, _ =	vpop (xrf2)  }
0xda: {  	[tilespmem:s28+$0x8000] =	vst v4;
	v6 =	vmul.f32 v6, v11;
	v45 =	vpop (erf);
	(erf) = vrcp.f32 v44;
	s6 =	sadd.f32 $9.999999930e-09, s11;
	(v2sf) =	vpush v43, $0xF  }
0xdb: {  	[tilespmem:s2+$0xFFFFFFE0] =	vst v4;
	v48, _, _ =	vpop (xrf2)  }
0xdc: {  	[tilespmem:v37+s8+$0x0] =	vst.idx.msk $0xff, v6;
	v49 =	vmov s6;
	(v2sf) =	vpush v48, $0xF  }
0xdd: {  	[tilespmem:v42+s9+$0x0] =	vst.idx.msk $0xff, v7;
	v6 =	vmul.f32 v45, v9;
	v7 =	vpop (erf);
	(erf) = vrcp.f32 v49  }
0xde: {  	[tilespmem:s2+$0xFFFFFFF0] =	vst v4;
	v46 =	vadd.s32 s7, v15;
	s12 =	spop (v2sf)  }
0xdf: {  	[tilespmem:v14+s8+$0x0] =	vst.idx.msk $0xff, v6;
	v6 =	vmul.f32 v7, v18;
	s6 =	sadd.f32 $9.999999930e-09, s12  }
0xe0: {  	[tilespmem:s2+$0x0] =	vst v4  }
0xe1: {  	s10 =	sadd.s32 $0x10, s4;
	s4 =	sadd.s32 $0xFFFFFFF8, s4;
	[tilespmem:v19+s9+$0x0] =	vst.idx.msk $0xff, v5;
	v5 =	vmov s6  }
0xe2: {  	[tilespmem:s2+$0x10] =	vst v4;
	(erf) = vrcp.f32 v5;
	v5 =	vor.u32 s4, v0  }
0xe3: {  	s2 =	sadd.s32 $0x80, s2;
	[tilespmem:v46+s8+$0x0] =	vst.idx.msk $0xff, v6;
	v6 =	vpop (erf);
	s13 =	spop (v2sf)  }
0xe4: {  	[tilespmem:s2+$0x20] =	vst v4;
	v6 =	vmul.f32 v6, v13;
	s4 =	sadd.f32 $9.999999930e-09, s13  }
0xe5: {  	[tilespmem:s2+$0xFFFFFFE0] =	vst v4;
	s14 =	spop (v2sf)  }
0xe6: {  	v7 =	vadd.s32 s15, v24;
	[tilespmem:v12+s8+$0x0] =	vst.idx.msk $0xff, v6;
	v10 =	vpop (erf);
	s6 =	sadd.f32 $9.999999930e-09, s14;
	v50 =	vmov s4  }
0xe7: {  	s15 =	sadd.s32 $0x10, s10;
	[tilespmem:v5+s9+$0x0] =	vst.idx.msk $0xff, v8;
	v5 =	vmul.f32 v10, v34;
	(erf) = vrcp.f32 v50;
	s7 =	spop (v2sf)  }
0xe8: {  	[tilespmem:s2+$0xFFFFFFF0] =	vst v4;
	v6 =	vadd.s32 s15, v0;
	v51 =	vmov s6;
	s16 =	sadd.f32 $9.999999930e-09, s7  }
0xe9: {  	[tilespmem:s2+$0x0] =	vst v4;
	s5 =	sadd.s32 $0xFFFFFFF8, s10;
	(erf) = vrcp.f32 v51;
	s17 =	spop (v2sf)  }
0xea: {  	[tilespmem:s2+$0x10] =	vst v4;
	v52 =	vor.u32 s5, v0;
	s5 =	sadd.f32 $9.999999930e-09, s17;
	v53 =	vmov s16  }
0xeb: {  	[tilespmem:v7+s8+$0x0] =	vst.idx.msk $0xff, v5;
	v5 =	vpop (erf);
	(erf) = vrcp.f32 v53;
	s18 =	spop (v2sf)  }
0xec: {  	[tilespmem:s30+$0x8000] =	vst v4;
	v47 =	vadd.s32 s10, v0;
	v5 =	vmul.f32 v5, v21;
	v7 =	vmov s5;
	s19 =	sadd.f32 $9.999999930e-09, s18  }
0xed: {  	[tilespmem:v6+s9+$0x0] =	vst.idx.msk $0xff, v24;
	(erf) = vrcp.f32 v7  }
0xee: {  	s22 =	sadd.s32 $0x10, s15;
	[tilespmem:v22+s8+$0x0] =	vst.idx.msk $0xff, v5;
	v5 =	vadd.s32 s20, v25;
	v6 =	vmov s19  }
0xef: {  	[tilespmem:s29+$0x8000] =	vst v4;
	v7 =	vadd.s32 s22, v0;
	(erf) = vrcp.f32 v6  }
0xf0: {  	[tilespmem:s31+$0x8000] =	vst v4;
	s23 =	sadd.s32 $0xFFFFFFF8, s15;
	v54 =	vpop (erf);
	v6 =	vadd.s32 s3, v23  }
0xf1: {  	v55 =	vor.u32 s23, v0;
	[tilespmem:v47+s9+$0x0] =	vst.idx.msk $0xff, v15;
	v8 =	vmul.f32 v54, v31  }
0xf2: {  	s24 =	sadd.s32 $0x10, s22;
	v56 =	vadd.s32 s25, v27;
	[tilespmem:v52+s9+$0x0] =	vst.idx.msk $0xff, v20;
	v57 =	vpop (erf)  }
0xf3: {  	v58 =	vadd.s32 s24, v0;
	[tilespmem:v5+s8+$0x0] =	vst.idx.msk $0xff, v8;
	v5 =	vmul.f32 v57, v28  }
0xf4: {  	s25 =	sadd.s32 $0xFFFFFFF8, s22;
	v59 =	vadd.s32 s1, v26;
	[tilespmem:v7+s9+$0x0] =	vst.idx.msk $0xff, v25;
	v60 =	vpop (erf)  }
0xf5: {  	v7 =	vor.u32 s25, v0;
	[tilespmem:v6+s8+$0x0] =	vst.idx.msk $0xff, v5;
	v5 =	vmul.f32 v60, v30  }
0xf6: {  	s26 =	sadd.s32 $0xFFFFFFF8, s24;
	v6 =	vadd.s32 s0, v29;
	v61 =	vpop (erf);
	[tilespmem:v55+s9+$0x0] =	vst.idx.msk $0xff, v23  }
0xf7: {  	v62 =	vor.u32 s26, v0;
	[tilespmem:v56+s8+$0x0] =	vst.idx.msk $0xff, v5;
	v5 =	vmul.f32 v61, v32  }
0xf8: {  	[tilespmem:v58+s9+$0x0] =	vst.idx.msk $0xff, v27;
	v63 =	vpop (erf)  }
0xf9: {  	[tilespmem:v59+s8+$0x0] =	vst.idx.msk $0xff, v5;
	v5 =	vmul.f32 v63, v33  }
0xfa: {  	[tilespmem:v7+s9+$0x0] =	vst.idx.msk $0xff, v26  }
0xfb: {  	[tilespmem:v6+s8+$0x0] =	vst.idx.msk $0xff, v5  }
0xfc: {  	[tilespmem:v62+s9+$0x0] =	vst.idx.msk $0xff, v29  }
0xfd: {  	s1 =	simm.s32 $0x1;
	s7 =	simm.s32 $0x0;
	s28 =	rddreg [dreg:$0x9]  }
0xfe: {  	[hbm4b:s28+s7] =	stream.linear.scatter [tilespmem:s8], [sflag:$0x1], $0x8000, $0x38;
	[tilespmem:$0x11000] =	vst v63  }
0xff: {  	_ =	swait.ge [sflag:s1], $0x8000  }
0x100: {  	[sflag:s1] =	ssyncset.done $0x0  }
0x101: {  	s29 =	rddreg [dreg:$0xa];
	[sflag:s1] =	ssyncadd.s32 $0xFFFF8000  }
0x102: {  	[hbm4b:s29+s7] =	stream.linear.scatter [tilespmem:s9], [sflag:$0x1], $0x1000, $0x38;
	[tilespmem:$0x11000] =	vst v63  }
0x103: {  	_ =	swait.ge [sflag:s1], $0x1000  }
0x104: {  	s30 =	rddreg [dreg:$0xc]  }
0x105: {  	s31 =	rddreg [dreg:$0xb];
	s2 =	sadd.s32 $0x1, s30  }
0x106: {  	p0 =	sne.s32 s2, s31  }
.Ltmp1:
0x107: {  	_ = 	snop;
	(pc) =	sbr.rel @p0 .LBB2_1-.Ltmp1, $3  }
0x108: {  	_ =	sdelay $0x1  }
0x109: {  	[sflag:s1] =	ssyncset.done $0x0  }
0x10a: {  	[sflag:s1] =	ssyncadd.s32 $0xFFFFF000  }
0x10b: {  	_ =	sfence.sel $0x180000  }
0x10c: {  	[bflag:$0x0] =	sbarrier.arrive $0xFFFF  }
0x10d: {  	_ =	strace $0x90000047  }
0x10e: {  	s0 =	stileid.u32;
	[bflag:$0x2] =	sbarrier.arrive $0xFFFF  }
0x10f: {  	p0 =	sne.s32 s0, $0x0;
	s0 =	rddreg [dreg:$0x3]  }
0x110: {  	s0 =	sadd.s32 @!p0 $0x100000, s0  }
0x111: {  	[sflag:s0] =	ssyncadd.tile.s32 @!p0 $0x1;
	_ =	shalt  }
.Lfunc_end2:
_tile_overlayer_lowered:
.L_overlay_start_2:
0x112: {  	(tag) =	ssettag $0x2  }
0x113: {  	s0 =	rddreg [dreg:$0x0];
	s2 =	stileid.u32  }
0x114: {  	s1 =	rddreg [dreg:$0x1];
	p0 =	sne.s32 s2, $0x0  }
0x115: {  	s3 =	rddreg [dreg:$0x2];
	[bflag:$0x3] =	sbarrier.arrive $0xFFFF;
	s2 =	simm.s32 @!p0 $0x1C01  }
0x116: {  	[timem:s3], [sflag:s2] =	dma.local @!p0 [hbm:s0], s1  }
0x117: {  	s0 =	simm.s32 @!p0 $0x1  }
0x118: {  	_ =	swait.ge @!p0 [sflag:s0], s1  }
0x119: {  	s1 =	ssub.s32 @!p0 $0x0, s1;
	[sflag:s0] =	ssyncset.done @!p0 $0x0  }
0x11a: {  	[sflag:s0] =	ssyncadd.s32 @!p0 s1  }
0x11b: {  	[bflag:$0x3] =	sbarrier.arrive $0xFFFF  }
0x11c: {  	_ =	shalt  }

</sc_bundles>
